<compile_context>
chip_gen: v7x
topology: tpu7x:2x2x1
jax: 0.10.2.dev20260603
libtpu: 0.0.44.dev20260713+nightly
codegen_flags: <defaults>
</compile_context>

<pallas_src>
import functools

import jax
import jax.numpy as jnp
import numpy as np
from jax import lax
from jax.experimental import pallas as pl
from jax.experimental.pallas import tpu as pltpu
from jax.experimental.pallas import tpu_sc as plsc

INPUT_DIM = 128
NUM_CLASSES = 64
NUM_TREES = 100
TREE_DEPTH = 5
NUM_USED_NODES = 16
NUM_LEAVES = 32
BATCH = 4096

SAMPLE_BLOCK = 512
TC_GRID = BATCH // SAMPLE_BLOCK

NUM_CORES = 2
NUM_SUBCORES = 16
NUM_WORKERS = NUM_CORES * NUM_SUBCORES
ROWS_PER_WORKER = BATCH // NUM_WORKERS
NUM_SLOTS = 16
LANES = 16

_FLAT_NODES = NUM_TREES * NUM_USED_NODES
_WORKERS_PER_BLOCK = SAMPLE_BLOCK // ROWS_PER_WORKER


def _route_kernel(x_ref, w_ref, b_ref, p_ref, out_ref):
    x = x_ref[...]
    w = w_ref[...]
    x_hi = x.astype(jnp.bfloat16)
    w_hi = w.astype(jnp.bfloat16)
    x_lo = (x - x_hi.astype(jnp.float32)).astype(jnp.bfloat16)
    w_lo = (w - w_hi.astype(jnp.float32)).astype(jnp.bfloat16)
    dims = (((1,), (1,)), ((), ()))

    def mm(a, bb):
        return lax.dot_general(a, bb, dims,
                               precision=lax.Precision.DEFAULT,
                               preferred_element_type=jnp.float32)

    logits = mm(x_hi, w_hi) + (mm(x_hi, w_lo) + mm(x_lo, w_hi))
    bits = jnp.where(logits + b_ref[...] <= 0.0, 1.0, 0.0)
    mask_f = lax.dot_general(
        bits, p_ref[...], (((1,), (0,)), ((), ())),
        precision=lax.Precision.DEFAULT)
    m = jnp.transpose(mask_f.astype(jnp.int32))
    idx = jnp.zeros_like(m)
    for _ in range(TREE_DEPTH):
        bit = lax.shift_right_logical(m, idx) & 1
        idx = idx + idx + bit
    tree = lax.broadcasted_iota(jnp.int32, m.shape, 0)
    ids = idx + tree * NUM_LEAVES
    out_ref[...] = jnp.transpose(
        ids.reshape(NUM_TREES, _WORKERS_PER_BLOCK, ROWS_PER_WORKER),
        (1, 0, 2))


def _compute_leaf_ids(x, w_flat, b_flat, pack):
    return pl.pallas_call(
        _route_kernel,
        grid=(TC_GRID,),
        in_specs=[
            pl.BlockSpec((SAMPLE_BLOCK, INPUT_DIM), lambda i: (i, 0)),
            pl.BlockSpec((_FLAT_NODES, INPUT_DIM), lambda i: (0, 0)),
            pl.BlockSpec((1, _FLAT_NODES), lambda i: (0, 0)),
            pl.BlockSpec((_FLAT_NODES, NUM_TREES), lambda i: (0, 0)),
        ],
        out_specs=pl.BlockSpec(
            (_WORKERS_PER_BLOCK, NUM_TREES, ROWS_PER_WORKER),
            lambda i: (i, 0, 0)),
        out_shape=jax.ShapeDtypeStruct(
            (NUM_WORKERS, NUM_TREES, ROWS_PER_WORKER), jnp.int32),
    )(x, w_flat, b_flat, pack)


def _sc_body(ids_hbm, leaves_hbm, out_hbm, ids_v, acc_v, final_v, sem0):
    wid = lax.axis_index("s") * NUM_CORES + lax.axis_index("c")
    base = wid * ROWS_PER_WORKER

    pltpu.sync_copy(ids_hbm.at[wid], ids_v)

    for t in range(NUM_SLOTS):
        pltpu.async_copy(
            leaves_hbm.at[ids_v.at[t]], acc_v.at[t], sem0, add=False)
    for t in range(NUM_SLOTS):
        pltpu.make_async_copy(
            leaves_hbm.at[ids_v.at[0]], acc_v.at[0], sem0).wait()

    def tree_body(t, carry):
        pltpu.async_copy(
            leaves_hbm.at[ids_v.at[t]],
            acc_v.at[lax.rem(t, NUM_SLOTS)], sem0, add=True)
        return carry

    lax.fori_loop(NUM_SLOTS, NUM_TREES, tree_body, 0)

    def drain(t, carry):
        pltpu.make_async_copy(
            leaves_hbm.at[ids_v.at[0]], acc_v.at[0], sem0).wait()
        return carry

    lax.fori_loop(NUM_SLOTS, NUM_TREES, drain, 0)

    lane_iota = lax.iota(jnp.int32, LANES)
    scale = jnp.full((LANES,), 1.0 / NUM_TREES, jnp.float32)
    hi_mask = jnp.full((LANES,), jnp.uint32(0xFFFF0000))

    def combine(r, carry):
        for ch in range(NUM_CLASSES // 32):
            esum = jnp.zeros((LANES,), jnp.float32)
            osum = jnp.zeros((LANES,), jnp.float32)
            for k in range(NUM_SLOTS):
                w = plsc.bitcast(
                    acc_v[k, r, pl.ds(ch * 32, 32)], jnp.uint32)
                esum = esum + plsc.bitcast(
                    lax.shift_left(w, jnp.uint32(16)), jnp.float32)
                osum = osum + plsc.bitcast(w & hi_mask, jnp.float32)
            col = ch * 32 + 2 * lane_iota
            fbase = r * NUM_CLASSES + col
            plsc.store_scatter(final_v, [fbase], esum * scale)
            plsc.store_scatter(final_v, [fbase + 1], osum * scale)
        return carry

    lax.fori_loop(0, ROWS_PER_WORKER, combine, 0)
    pltpu.sync_copy(
        final_v,
        out_hbm.at[pl.ds(base * NUM_CLASSES,
                         ROWS_PER_WORKER * NUM_CLASSES)])


@functools.cache
def _sc_forest():
    return pl.kernel(
        _sc_body,
        out_type=jax.ShapeDtypeStruct((BATCH * NUM_CLASSES,), jnp.float32),
        mesh=plsc.VectorSubcoreMesh(
            core_axis_name="c", subcore_axis_name="s",
            num_cores=NUM_CORES, num_subcores=NUM_SUBCORES),
        compiler_params=pltpu.CompilerParams(
            needs_layout_passes=False, use_tc_tiling_on_sc=False),
        scratch_types=[
            pltpu.VMEM((NUM_TREES, ROWS_PER_WORKER), jnp.int32),
            pltpu.VMEM((NUM_SLOTS, ROWS_PER_WORKER, NUM_CLASSES),
                       jnp.bfloat16),
            pltpu.VMEM((ROWS_PER_WORKER * NUM_CLASSES,), jnp.float32),
            pltpu.SemaphoreType.DMA,
        ],
    )


def _pack_matrix():
    p = np.zeros((_FLAT_NODES, NUM_TREES), np.float32)
    for t in range(NUM_TREES):
        for n in range(NUM_USED_NODES):
            p[t * NUM_USED_NODES + n, t] = float(1 << n)
    return jnp.asarray(p)


def kernel(x, W, b, leaves):
    w_flat = W[:, :NUM_USED_NODES, :].reshape(_FLAT_NODES, INPUT_DIM)
    b_flat = b[:, :NUM_USED_NODES].reshape(1, _FLAT_NODES)
    ids = _compute_leaf_ids(x, w_flat, b_flat, _pack_matrix())
    leaves_flat = leaves.astype(jnp.bfloat16).reshape(
        NUM_TREES * NUM_LEAVES, NUM_CLASSES)
    out = _sc_forest()(ids, leaves_flat)
    return out.reshape(BATCH, NUM_CLASSES)

# --- scband reference (transcript-rebuilt; emitter-appended) ---
"""Pipeline reference for scband-random-forest-52175262712157 (READ-ONLY COPY).

The authoritative reference and input builder live on the scoring server;
editing this copy changes nothing except your own understanding.
"""

import jax, jax.numpy as jnp
import numpy as np

INPUT_DIM = 128
NUM_CLASSES = 64
NUM_TREES = 100
TREE_DEPTH = 5
NUM_NODES = 2 ** TREE_DEPTH - 1
NUM_LEAVES = 2 ** TREE_DEPTH
BATCH = 4096


def setup_inputs(seed: int = 0) -> dict:
    key = jax.random.key(seed)
    k1, k2, k3, k4 = jax.random.split(key, 4)
    x = jax.random.normal(k1, (BATCH, INPUT_DIM), dtype=jnp.float32)
    # Stacked per-tree parameters: decision node weights/biases and leaf tables
    W = jax.random.normal(k2, (NUM_TREES, NUM_NODES, INPUT_DIM), dtype=jnp.float32)
    b = jax.random.normal(k3, (NUM_TREES, NUM_NODES), dtype=jnp.float32)
    leaves = jax.random.normal(k4, (NUM_TREES, NUM_LEAVES, NUM_CLASSES), dtype=jnp.float32)
    return {"x": x, "W": W, "b": b, "leaves": leaves}


def reference(x, W, b, leaves):
    # Faithful translation of RandomForest.forward:
    # each tree routes every sample down TREE_DEPTH levels using per-sample
    # gathered decision-node parameters (as the torch code indexes
    # decision_nodes with the running `indices` tensor), then gathers the
    # leaf logits and averages over trees.
    def tree_fwd(Wt, bt, lt):
        idx = jnp.zeros(x.shape[0], dtype=jnp.int32)
        for _ in range(TREE_DEPTH):
            w_sel = jnp.take(Wt, idx, axis=0)          # [B, D] gather
            b_sel = jnp.take(bt, idx, axis=0)          # [B] gather
            dec = jax.nn.sigmoid(jnp.sum(x * w_sel, axis=-1) + b_sel)
            idx = 2 * idx + (dec <= 0.5).astype(jnp.int32)
        return jnp.take(lt, idx, axis=0)               # [B, C] leaf gather

    preds = jax.vmap(tree_fwd)(W, b, leaves)           # [T, B, C]
    return jnp.mean(preds, axis=0)

if __name__ == "__main__":
    import jax
    _d = setup_inputs()
    print(jax.jit(kernel)(*tuple(_d.values())))

</pallas_src>

<mosaic_0001>
#map = affine_map<(d0, d1) -> (0, 0, 0)>
#map1 = affine_map<(d0, d1) -> (0, 0)>
#map2 = affine_map<(d0, d1) -> (0)>
module attributes {stable_mosaic.version = 14 : i64} {
  func.func @_sc_body(%arg0: i32, %arg1: i32, %arg2: memref<32x100x128xi32, #tpu.memory_space<hbm>>, %arg3: memref<3200x64xbf16, #tpu.memory_space<hbm>>, %arg4: memref<262144xf32, #tpu.memory_space<hbm>>, %arg5: memref<100x128xi32, #tpu.memory_space<vmem>>, %arg6: memref<16x128x64xbf16, #tpu.memory_space<vmem>>, %arg7: memref<8192xf32, #tpu.memory_space<vmem>>, %arg8: memref<!tpu.dma_semaphore, #tpu.memory_space<semaphore_mem>>) attributes {dimension_semantics = [#tpu.dimension_semantics<core_parallel>, #tpu.dimension_semantics<subcore_parallel>], iteration_bounds = array<i64: 2, 16>, scalar_prefetch = 0 : i64, scratch_operands = 4 : i64, tpu.core_type = #tpu.core_type<sc_vector_subcore>, window_params = [{transform_indices = #map}, {transform_indices = #map1}, {transform_indices = #map2}]} {
    %mul3A = arith.constant 2 : i32
    %mul3A_0 = arith.muli %arg1, %mul3A : i32
    %add3A = arith.addi %mul3A_0, %arg0 : i32
    %mul3A_1 = arith.constant 128 : i32
    %mul3A_2 = arith.muli %add3A, %mul3A_1 : i32
    "tpu.region"() ({
      %run_scoped3A = tpu.sem_alloc : memref<!tpu.dma_semaphore, #tpu.memory_space<semaphore_mem>>
      %dma_start3A_407 = arith.constant 0 : i32
      %dma_start3A_408 = arith.constant 0 : i32
      %dma_start3A_409 = tpu.memref_slice %arg2[%add3A, %dma_start3A_407, %dma_start3A_408] : memref<32x100x128xi32, #tpu.memory_space<hbm>> -> memref<1x100x128xi32, #tpu.memory_space<hbm>>
      %dma_start3A_410 = tpu.memref_squeeze %dma_start3A_409 : memref<1x100x128xi32, #tpu.memory_space<hbm>> -> memref<100x128xi32, #tpu.memory_space<hbm>>
      %dma_start3A_411 = arith.constant 0 : i32
      %dma_start3A_412 = arith.constant 0 : i32
      %dma_start3A_413 = tpu.memref_slice %arg2[%add3A, %dma_start3A_411, %dma_start3A_412] : memref<32x100x128xi32, #tpu.memory_space<hbm>> -> memref<1x100x128xi32, #tpu.memory_space<hbm>>
      %dma_start3A_414 = tpu.memref_squeeze %dma_start3A_413 : memref<1x100x128xi32, #tpu.memory_space<hbm>> -> memref<100x128xi32, #tpu.memory_space<hbm>>
      tpu.enqueue_dma source(%dma_start3A_414 : memref<100x128xi32, #tpu.memory_space<hbm>>) target(%arg5 : memref<100x128xi32, #tpu.memory_space<vmem>>) target_semaphore(%run_scoped3A : memref<!tpu.dma_semaphore, #tpu.memory_space<semaphore_mem>>)
      %dma_wait3A_415 = arith.constant 0 : i32
      %dma_wait3A_416 = arith.constant 0 : i32
      %dma_wait3A_417 = tpu.memref_slice %arg2[%add3A, %dma_wait3A_415, %dma_wait3A_416] : memref<32x100x128xi32, #tpu.memory_space<hbm>> -> memref<1x100x128xi32, #tpu.memory_space<hbm>>
      %dma_wait3A_418 = tpu.memref_squeeze %dma_wait3A_417 : memref<1x100x128xi32, #tpu.memory_space<hbm>> -> memref<100x128xi32, #tpu.memory_space<hbm>>
      %dma_wait3A_419 = arith.constant 0 : i32
      %dma_wait3A_420 = arith.constant 0 : i32
      %dma_wait3A_421 = tpu.memref_slice %arg2[%add3A, %dma_wait3A_419, %dma_wait3A_420] : memref<32x100x128xi32, #tpu.memory_space<hbm>> -> memref<1x100x128xi32, #tpu.memory_space<hbm>>
      %dma_wait3A_422 = tpu.memref_squeeze %dma_wait3A_421 : memref<1x100x128xi32, #tpu.memory_space<hbm>> -> memref<100x128xi32, #tpu.memory_space<hbm>>
      tpu.wait_dma2 semaphore(%run_scoped3A : memref<!tpu.dma_semaphore, #tpu.memory_space<semaphore_mem>>) src(%dma_wait3A_422 : memref<100x128xi32, #tpu.memory_space<hbm>>) dst(%arg5 : memref<100x128xi32, #tpu.memory_space<vmem>>)
      tpu.yield
    }) : () -> ()
    %dma_start3A = arith.constant 0 : i32
    %dma_start3A_3 = arith.constant 0 : i32
    %dma_start3A_4 = arith.constant 0 : i32
    %dma_start3A_5 = arith.constant 0 : i32
    %dma_start3A_6 = tpu.memref_slice %arg6[%dma_start3A_3, %dma_start3A_4, %dma_start3A_5] : memref<16x128x64xbf16, #tpu.memory_space<vmem>> -> memref<1x128x64xbf16, #tpu.memory_space<vmem>>
    %dma_start3A_7 = tpu.memref_squeeze %dma_start3A_6 : memref<1x128x64xbf16, #tpu.memory_space<vmem>> -> memref<128x64xbf16, #tpu.memory_space<vmem>>
    %dma_start3A_8 = arith.constant 0 : i32
    %dma_start3A_9 = tpu.memref_slice %arg5[%dma_start3A, %dma_start3A_8] : memref<100x128xi32, #tpu.memory_space<vmem>> -> memref<1x128xi32, #tpu.memory_space<vmem>>
    %dma_start3A_10 = tpu.memref_squeeze %dma_start3A_9 : memref<1x128xi32, #tpu.memory_space<vmem>> -> memref<128xi32, #tpu.memory_space<vmem>>
    %dma_start3A_11 = arith.constant 0 : i32
    %dma_start3A_12 = arith.constant 0 : i32
    %dma_start3A_13 = tpu.memref_slice %arg3[%dma_start3A_11, %dma_start3A_12] : memref<3200x64xbf16, #tpu.memory_space<hbm>> -> memref<3200x64xbf16, #tpu.memory_space<hbm>>
    tpu.enqueue_indirect_dma source(%dma_start3A_13 : memref<3200x64xbf16, #tpu.memory_space<hbm>>) target(%dma_start3A_7 : memref<128x64xbf16, #tpu.memory_space<vmem>>) offsets(%dma_start3A_10 : memref<128xi32, #tpu.memory_space<vmem>>) semaphore(%arg8 : memref<!tpu.dma_semaphore, #tpu.memory_space<semaphore_mem>>)
    %dma_start3A_14 = arith.constant 1 : i32
    %dma_start3A_15 = arith.constant 1 : i32
    %dma_start3A_16 = arith.constant 0 : i32
    %dma_start3A_17 = arith.constant 0 : i32
    %dma_start3A_18 = tpu.memref_slice %arg6[%dma_start3A_15, %dma_start3A_16, %dma_start3A_17] : memref<16x128x64xbf16, #tpu.memory_space<vmem>> -> memref<1x128x64xbf16, #tpu.memory_space<vmem>>
    %dma_start3A_19 = tpu.memref_squeeze %dma_start3A_18 : memref<1x128x64xbf16, #tpu.memory_space<vmem>> -> memref<128x64xbf16, #tpu.memory_space<vmem>>
    %dma_start3A_20 = arith.constant 0 : i32
    %dma_start3A_21 = tpu.memref_slice %arg5[%dma_start3A_14, %dma_start3A_20] : memref<100x128xi32, #tpu.memory_space<vmem>> -> memref<1x128xi32, #tpu.memory_space<vmem>>
    %dma_start3A_22 = tpu.memref_squeeze %dma_start3A_21 : memref<1x128xi32, #tpu.memory_space<vmem>> -> memref<128xi32, #tpu.memory_space<vmem>>
    %dma_start3A_23 = arith.constant 0 : i32
    %dma_start3A_24 = arith.constant 0 : i32
    %dma_start3A_25 = tpu.memref_slice %arg3[%dma_start3A_23, %dma_start3A_24] : memref<3200x64xbf16, #tpu.memory_space<hbm>> -> memref<3200x64xbf16, #tpu.memory_space<hbm>>
    tpu.enqueue_indirect_dma source(%dma_start3A_25 : memref<3200x64xbf16, #tpu.memory_space<hbm>>) target(%dma_start3A_19 : memref<128x64xbf16, #tpu.memory_space<vmem>>) offsets(%dma_start3A_22 : memref<128xi32, #tpu.memory_space<vmem>>) semaphore(%arg8 : memref<!tpu.dma_semaphore, #tpu.memory_space<semaphore_mem>>)
    %dma_start3A_26 = arith.constant 2 : i32
    %dma_start3A_27 = arith.constant 2 : i32
    %dma_start3A_28 = arith.constant 0 : i32
    %dma_start3A_29 = arith.constant 0 : i32
    %dma_start3A_30 = tpu.memref_slice %arg6[%dma_start3A_27, %dma_start3A_28, %dma_start3A_29] : memref<16x128x64xbf16, #tpu.memory_space<vmem>> -> memref<1x128x64xbf16, #tpu.memory_space<vmem>>
    %dma_start3A_31 = tpu.memref_squeeze %dma_start3A_30 : memref<1x128x64xbf16, #tpu.memory_space<vmem>> -> memref<128x64xbf16, #tpu.memory_space<vmem>>
    %dma_start3A_32 = arith.constant 0 : i32
    %dma_start3A_33 = tpu.memref_slice %arg5[%dma_start3A_26, %dma_start3A_32] : memref<100x128xi32, #tpu.memory_space<vmem>> -> memref<1x128xi32, #tpu.memory_space<vmem>>
    %dma_start3A_34 = tpu.memref_squeeze %dma_start3A_33 : memref<1x128xi32, #tpu.memory_space<vmem>> -> memref<128xi32, #tpu.memory_space<vmem>>
    %dma_start3A_35 = arith.constant 0 : i32
    %dma_start3A_36 = arith.constant 0 : i32
    %dma_start3A_37 = tpu.memref_slice %arg3[%dma_start3A_35, %dma_start3A_36] : memref<3200x64xbf16, #tpu.memory_space<hbm>> -> memref<3200x64xbf16, #tpu.memory_space<hbm>>
    tpu.enqueue_indirect_dma source(%dma_start3A_37 : memref<3200x64xbf16, #tpu.memory_space<hbm>>) target(%dma_start3A_31 : memref<128x64xbf16, #tpu.memory_space<vmem>>) offsets(%dma_start3A_34 : memref<128xi32, #tpu.memory_space<vmem>>) semaphore(%arg8 : memref<!tpu.dma_semaphore, #tpu.memory_space<semaphore_mem>>)
    %dma_start3A_38 = arith.constant 3 : i32
    %dma_start3A_39 = arith.constant 3 : i32
    %dma_start3A_40 = arith.constant 0 : i32
    %dma_start3A_41 = arith.constant 0 : i32
    %dma_start3A_42 = tpu.memref_slice %arg6[%dma_start3A_39, %dma_start3A_40, %dma_start3A_41] : memref<16x128x64xbf16, #tpu.memory_space<vmem>> -> memref<1x128x64xbf16, #tpu.memory_space<vmem>>
    %dma_start3A_43 = tpu.memref_squeeze %dma_start3A_42 : memref<1x128x64xbf16, #tpu.memory_space<vmem>> -> memref<128x64xbf16, #tpu.memory_space<vmem>>
    %dma_start3A_44 = arith.constant 0 : i32
    %dma_start3A_45 = tpu.memref_slice %arg5[%dma_start3A_38, %dma_start3A_44] : memref<100x128xi32, #tpu.memory_space<vmem>> -> memref<1x128xi32, #tpu.memory_space<vmem>>
    %dma_start3A_46 = tpu.memref_squeeze %dma_start3A_45 : memref<1x128xi32, #tpu.memory_space<vmem>> -> memref<128xi32, #tpu.memory_space<vmem>>
    %dma_start3A_47 = arith.constant 0 : i32
    %dma_start3A_48 = arith.constant 0 : i32
    %dma_start3A_49 = tpu.memref_slice %arg3[%dma_start3A_47, %dma_start3A_48] : memref<3200x64xbf16, #tpu.memory_space<hbm>> -> memref<3200x64xbf16, #tpu.memory_space<hbm>>
    tpu.enqueue_indirect_dma source(%dma_start3A_49 : memref<3200x64xbf16, #tpu.memory_space<hbm>>) target(%dma_start3A_43 : memref<128x64xbf16, #tpu.memory_space<vmem>>) offsets(%dma_start3A_46 : memref<128xi32, #tpu.memory_space<vmem>>) semaphore(%arg8 : memref<!tpu.dma_semaphore, #tpu.memory_space<semaphore_mem>>)
    %dma_start3A_50 = arith.constant 4 : i32
    %dma_start3A_51 = arith.constant 4 : i32
    %dma_start3A_52 = arith.constant 0 : i32
    %dma_start3A_53 = arith.constant 0 : i32
    %dma_start3A_54 = tpu.memref_slice %arg6[%dma_start3A_51, %dma_start3A_52, %dma_start3A_53] : memref<16x128x64xbf16, #tpu.memory_space<vmem>> -> memref<1x128x64xbf16, #tpu.memory_space<vmem>>
    %dma_start3A_55 = tpu.memref_squeeze %dma_start3A_54 : memref<1x128x64xbf16, #tpu.memory_space<vmem>> -> memref<128x64xbf16, #tpu.memory_space<vmem>>
    %dma_start3A_56 = arith.constant 0 : i32
    %dma_start3A_57 = tpu.memref_slice %arg5[%dma_start3A_50, %dma_start3A_56] : memref<100x128xi32, #tpu.memory_space<vmem>> -> memref<1x128xi32, #tpu.memory_space<vmem>>
    %dma_start3A_58 = tpu.memref_squeeze %dma_start3A_57 : memref<1x128xi32, #tpu.memory_space<vmem>> -> memref<128xi32, #tpu.memory_space<vmem>>
    %dma_start3A_59 = arith.constant 0 : i32
    %dma_start3A_60 = arith.constant 0 : i32
    %dma_start3A_61 = tpu.memref_slice %arg3[%dma_start3A_59, %dma_start3A_60] : memref<3200x64xbf16, #tpu.memory_space<hbm>> -> memref<3200x64xbf16, #tpu.memory_space<hbm>>
    tpu.enqueue_indirect_dma source(%dma_start3A_61 : memref<3200x64xbf16, #tpu.memory_space<hbm>>) target(%dma_start3A_55 : memref<128x64xbf16, #tpu.memory_space<vmem>>) offsets(%dma_start3A_58 : memref<128xi32, #tpu.memory_space<vmem>>) semaphore(%arg8 : memref<!tpu.dma_semaphore, #tpu.memory_space<semaphore_mem>>)
    %dma_start3A_62 = arith.constant 5 : i32
    %dma_start3A_63 = arith.constant 5 : i32
    %dma_start3A_64 = arith.constant 0 : i32
    %dma_start3A_65 = arith.constant 0 : i32
    %dma_start3A_66 = tpu.memref_slice %arg6[%dma_start3A_63, %dma_start3A_64, %dma_start3A_65] : memref<16x128x64xbf16, #tpu.memory_space<vmem>> -> memref<1x128x64xbf16, #tpu.memory_space<vmem>>
    %dma_start3A_67 = tpu.memref_squeeze %dma_start3A_66 : memref<1x128x64xbf16, #tpu.memory_space<vmem>> -> memref<128x64xbf16, #tpu.memory_space<vmem>>
    %dma_start3A_68 = arith.constant 0 : i32
    %dma_start3A_69 = tpu.memref_slice %arg5[%dma_start3A_62, %dma_start3A_68] : memref<100x128xi32, #tpu.memory_space<vmem>> -> memref<1x128xi32, #tpu.memory_space<vmem>>
    %dma_start3A_70 = tpu.memref_squeeze %dma_start3A_69 : memref<1x128xi32, #tpu.memory_space<vmem>> -> memref<128xi32, #tpu.memory_space<vmem>>
    %dma_start3A_71 = arith.constant 0 : i32
    %dma_start3A_72 = arith.constant 0 : i32
    %dma_start3A_73 = tpu.memref_slice %arg3[%dma_start3A_71, %dma_start3A_72] : memref<3200x64xbf16, #tpu.memory_space<hbm>> -> memref<3200x64xbf16, #tpu.memory_space<hbm>>
    tpu.enqueue_indirect_dma source(%dma_start3A_73 : memref<3200x64xbf16, #tpu.memory_space<hbm>>) target(%dma_start3A_67 : memref<128x64xbf16, #tpu.memory_space<vmem>>) offsets(%dma_start3A_70 : memref<128xi32, #tpu.memory_space<vmem>>) semaphore(%arg8 : memref<!tpu.dma_semaphore, #tpu.memory_space<semaphore_mem>>)
    %dma_start3A_74 = arith.constant 6 : i32
    %dma_start3A_75 = arith.constant 6 : i32
    %dma_start3A_76 = arith.constant 0 : i32
    %dma_start3A_77 = arith.constant 0 : i32
    %dma_start3A_78 = tpu.memref_slice %arg6[%dma_start3A_75, %dma_start3A_76, %dma_start3A_77] : memref<16x128x64xbf16, #tpu.memory_space<vmem>> -> memref<1x128x64xbf16, #tpu.memory_space<vmem>>
    %dma_start3A_79 = tpu.memref_squeeze %dma_start3A_78 : memref<1x128x64xbf16, #tpu.memory_space<vmem>> -> memref<128x64xbf16, #tpu.memory_space<vmem>>
    %dma_start3A_80 = arith.constant 0 : i32
    %dma_start3A_81 = tpu.memref_slice %arg5[%dma_start3A_74, %dma_start3A_80] : memref<100x128xi32, #tpu.memory_space<vmem>> -> memref<1x128xi32, #tpu.memory_space<vmem>>
    %dma_start3A_82 = tpu.memref_squeeze %dma_start3A_81 : memref<1x128xi32, #tpu.memory_space<vmem>> -> memref<128xi32, #tpu.memory_space<vmem>>
    %dma_start3A_83 = arith.constant 0 : i32
    %dma_start3A_84 = arith.constant 0 : i32
    %dma_start3A_85 = tpu.memref_slice %arg3[%dma_start3A_83, %dma_start3A_84] : memref<3200x64xbf16, #tpu.memory_space<hbm>> -> memref<3200x64xbf16, #tpu.memory_space<hbm>>
    tpu.enqueue_indirect_dma source(%dma_start3A_85 : memref<3200x64xbf16, #tpu.memory_space<hbm>>) target(%dma_start3A_79 : memref<128x64xbf16, #tpu.memory_space<vmem>>) offsets(%dma_start3A_82 : memref<128xi32, #tpu.memory_space<vmem>>) semaphore(%arg8 : memref<!tpu.dma_semaphore, #tpu.memory_space<semaphore_mem>>)
    %dma_start3A_86 = arith.constant 7 : i32
    %dma_start3A_87 = arith.constant 7 : i32
    %dma_start3A_88 = arith.constant 0 : i32
    %dma_start3A_89 = arith.constant 0 : i32
    %dma_start3A_90 = tpu.memref_slice %arg6[%dma_start3A_87, %dma_start3A_88, %dma_start3A_89] : memref<16x128x64xbf16, #tpu.memory_space<vmem>> -> memref<1x128x64xbf16, #tpu.memory_space<vmem>>
    %dma_start3A_91 = tpu.memref_squeeze %dma_start3A_90 : memref<1x128x64xbf16, #tpu.memory_space<vmem>> -> memref<128x64xbf16, #tpu.memory_space<vmem>>
    %dma_start3A_92 = arith.constant 0 : i32
    %dma_start3A_93 = tpu.memref_slice %arg5[%dma_start3A_86, %dma_start3A_92] : memref<100x128xi32, #tpu.memory_space<vmem>> -> memref<1x128xi32, #tpu.memory_space<vmem>>
    %dma_start3A_94 = tpu.memref_squeeze %dma_start3A_93 : memref<1x128xi32, #tpu.memory_space<vmem>> -> memref<128xi32, #tpu.memory_space<vmem>>
    %dma_start3A_95 = arith.constant 0 : i32
    %dma_start3A_96 = arith.constant 0 : i32
    %dma_start3A_97 = tpu.memref_slice %arg3[%dma_start3A_95, %dma_start3A_96] : memref<3200x64xbf16, #tpu.memory_space<hbm>> -> memref<3200x64xbf16, #tpu.memory_space<hbm>>
    tpu.enqueue_indirect_dma source(%dma_start3A_97 : memref<3200x64xbf16, #tpu.memory_space<hbm>>) target(%dma_start3A_91 : memref<128x64xbf16, #tpu.memory_space<vmem>>) offsets(%dma_start3A_94 : memref<128xi32, #tpu.memory_space<vmem>>) semaphore(%arg8 : memref<!tpu.dma_semaphore, #tpu.memory_space<semaphore_mem>>)
    %dma_start3A_98 = arith.constant 8 : i32
    %dma_start3A_99 = arith.constant 8 : i32
    %dma_start3A_100 = arith.constant 0 : i32
    %dma_start3A_101 = arith.constant 0 : i32
    %dma_start3A_102 = tpu.memref_slice %arg6[%dma_start3A_99, %dma_start3A_100, %dma_start3A_101] : memref<16x128x64xbf16, #tpu.memory_space<vmem>> -> memref<1x128x64xbf16, #tpu.memory_space<vmem>>
    %dma_start3A_103 = tpu.memref_squeeze %dma_start3A_102 : memref<1x128x64xbf16, #tpu.memory_space<vmem>> -> memref<128x64xbf16, #tpu.memory_space<vmem>>
    %dma_start3A_104 = arith.constant 0 : i32
    %dma_start3A_105 = tpu.memref_slice %arg5[%dma_start3A_98, %dma_start3A_104] : memref<100x128xi32, #tpu.memory_space<vmem>> -> memref<1x128xi32, #tpu.memory_space<vmem>>
    %dma_start3A_106 = tpu.memref_squeeze %dma_start3A_105 : memref<1x128xi32, #tpu.memory_space<vmem>> -> memref<128xi32, #tpu.memory_space<vmem>>
    %dma_start3A_107 = arith.constant 0 : i32
    %dma_start3A_108 = arith.constant 0 : i32
    %dma_start3A_109 = tpu.memref_slice %arg3[%dma_start3A_107, %dma_start3A_108] : memref<3200x64xbf16, #tpu.memory_space<hbm>> -> memref<3200x64xbf16, #tpu.memory_space<hbm>>
    tpu.enqueue_indirect_dma source(%dma_start3A_109 : memref<3200x64xbf16, #tpu.memory_space<hbm>>) target(%dma_start3A_103 : memref<128x64xbf16, #tpu.memory_space<vmem>>) offsets(%dma_start3A_106 : memref<128xi32, #tpu.memory_space<vmem>>) semaphore(%arg8 : memref<!tpu.dma_semaphore, #tpu.memory_space<semaphore_mem>>)
    %dma_start3A_110 = arith.constant 9 : i32
    %dma_start3A_111 = arith.constant 9 : i32
    %dma_start3A_112 = arith.constant 0 : i32
    %dma_start3A_113 = arith.constant 0 : i32
    %dma_start3A_114 = tpu.memref_slice %arg6[%dma_start3A_111, %dma_start3A_112, %dma_start3A_113] : memref<16x128x64xbf16, #tpu.memory_space<vmem>> -> memref<1x128x64xbf16, #tpu.memory_space<vmem>>
    %dma_start3A_115 = tpu.memref_squeeze %dma_start3A_114 : memref<1x128x64xbf16, #tpu.memory_space<vmem>> -> memref<128x64xbf16, #tpu.memory_space<vmem>>
    %dma_start3A_116 = arith.constant 0 : i32
    %dma_start3A_117 = tpu.memref_slice %arg5[%dma_start3A_110, %dma_start3A_116] : memref<100x128xi32, #tpu.memory_space<vmem>> -> memref<1x128xi32, #tpu.memory_space<vmem>>
    %dma_start3A_118 = tpu.memref_squeeze %dma_start3A_117 : memref<1x128xi32, #tpu.memory_space<vmem>> -> memref<128xi32, #tpu.memory_space<vmem>>
    %dma_start3A_119 = arith.constant 0 : i32
    %dma_start3A_120 = arith.constant 0 : i32
    %dma_start3A_121 = tpu.memref_slice %arg3[%dma_start3A_119, %dma_start3A_120] : memref<3200x64xbf16, #tpu.memory_space<hbm>> -> memref<3200x64xbf16, #tpu.memory_space<hbm>>
    tpu.enqueue_indirect_dma source(%dma_start3A_121 : memref<3200x64xbf16, #tpu.memory_space<hbm>>) target(%dma_start3A_115 : memref<128x64xbf16, #tpu.memory_space<vmem>>) offsets(%dma_start3A_118 : memref<128xi32, #tpu.memory_space<vmem>>) semaphore(%arg8 : memref<!tpu.dma_semaphore, #tpu.memory_space<semaphore_mem>>)
    %dma_start3A_122 = arith.constant 10 : i32
    %dma_start3A_123 = arith.constant 10 : i32
    %dma_start3A_124 = arith.constant 0 : i32
    %dma_start3A_125 = arith.constant 0 : i32
    %dma_start3A_126 = tpu.memref_slice %arg6[%dma_start3A_123, %dma_start3A_124, %dma_start3A_125] : memref<16x128x64xbf16, #tpu.memory_space<vmem>> -> memref<1x128x64xbf16, #tpu.memory_space<vmem>>
    %dma_start3A_127 = tpu.memref_squeeze %dma_start3A_126 : memref<1x128x64xbf16, #tpu.memory_space<vmem>> -> memref<128x64xbf16, #tpu.memory_space<vmem>>
    %dma_start3A_128 = arith.constant 0 : i32
    %dma_start3A_129 = tpu.memref_slice %arg5[%dma_start3A_122, %dma_start3A_128] : memref<100x128xi32, #tpu.memory_space<vmem>> -> memref<1x128xi32, #tpu.memory_space<vmem>>
    %dma_start3A_130 = tpu.memref_squeeze %dma_start3A_129 : memref<1x128xi32, #tpu.memory_space<vmem>> -> memref<128xi32, #tpu.memory_space<vmem>>
    %dma_start3A_131 = arith.constant 0 : i32
    %dma_start3A_132 = arith.constant 0 : i32
    %dma_start3A_133 = tpu.memref_slice %arg3[%dma_start3A_131, %dma_start3A_132] : memref<3200x64xbf16, #tpu.memory_space<hbm>> -> memref<3200x64xbf16, #tpu.memory_space<hbm>>
    tpu.enqueue_indirect_dma source(%dma_start3A_133 : memref<3200x64xbf16, #tpu.memory_space<hbm>>) target(%dma_start3A_127 : memref<128x64xbf16, #tpu.memory_space<vmem>>) offsets(%dma_start3A_130 : memref<128xi32, #tpu.memory_space<vmem>>) semaphore(%arg8 : memref<!tpu.dma_semaphore, #tpu.memory_space<semaphore_mem>>)
    %dma_start3A_134 = arith.constant 11 : i32
    %dma_start3A_135 = arith.constant 11 : i32
    %dma_start3A_136 = arith.constant 0 : i32
    %dma_start3A_137 = arith.constant 0 : i32
    %dma_start3A_138 = tpu.memref_slice %arg6[%dma_start3A_135, %dma_start3A_136, %dma_start3A_137] : memref<16x128x64xbf16, #tpu.memory_space<vmem>> -> memref<1x128x64xbf16, #tpu.memory_space<vmem>>
    %dma_start3A_139 = tpu.memref_squeeze %dma_start3A_138 : memref<1x128x64xbf16, #tpu.memory_space<vmem>> -> memref<128x64xbf16, #tpu.memory_space<vmem>>
    %dma_start3A_140 = arith.constant 0 : i32
    %dma_start3A_141 = tpu.memref_slice %arg5[%dma_start3A_134, %dma_start3A_140] : memref<100x128xi32, #tpu.memory_space<vmem>> -> memref<1x128xi32, #tpu.memory_space<vmem>>
    %dma_start3A_142 = tpu.memref_squeeze %dma_start3A_141 : memref<1x128xi32, #tpu.memory_space<vmem>> -> memref<128xi32, #tpu.memory_space<vmem>>
    %dma_start3A_143 = arith.constant 0 : i32
    %dma_start3A_144 = arith.constant 0 : i32
    %dma_start3A_145 = tpu.memref_slice %arg3[%dma_start3A_143, %dma_start3A_144] : memref<3200x64xbf16, #tpu.memory_space<hbm>> -> memref<3200x64xbf16, #tpu.memory_space<hbm>>
    tpu.enqueue_indirect_dma source(%dma_start3A_145 : memref<3200x64xbf16, #tpu.memory_space<hbm>>) target(%dma_start3A_139 : memref<128x64xbf16, #tpu.memory_space<vmem>>) offsets(%dma_start3A_142 : memref<128xi32, #tpu.memory_space<vmem>>) semaphore(%arg8 : memref<!tpu.dma_semaphore, #tpu.memory_space<semaphore_mem>>)
    %dma_start3A_146 = arith.constant 12 : i32
    %dma_start3A_147 = arith.constant 12 : i32
    %dma_start3A_148 = arith.constant 0 : i32
    %dma_start3A_149 = arith.constant 0 : i32
    %dma_start3A_150 = tpu.memref_slice %arg6[%dma_start3A_147, %dma_start3A_148, %dma_start3A_149] : memref<16x128x64xbf16, #tpu.memory_space<vmem>> -> memref<1x128x64xbf16, #tpu.memory_space<vmem>>
    %dma_start3A_151 = tpu.memref_squeeze %dma_start3A_150 : memref<1x128x64xbf16, #tpu.memory_space<vmem>> -> memref<128x64xbf16, #tpu.memory_space<vmem>>
    %dma_start3A_152 = arith.constant 0 : i32
    %dma_start3A_153 = tpu.memref_slice %arg5[%dma_start3A_146, %dma_start3A_152] : memref<100x128xi32, #tpu.memory_space<vmem>> -> memref<1x128xi32, #tpu.memory_space<vmem>>
    %dma_start3A_154 = tpu.memref_squeeze %dma_start3A_153 : memref<1x128xi32, #tpu.memory_space<vmem>> -> memref<128xi32, #tpu.memory_space<vmem>>
    %dma_start3A_155 = arith.constant 0 : i32
    %dma_start3A_156 = arith.constant 0 : i32
    %dma_start3A_157 = tpu.memref_slice %arg3[%dma_start3A_155, %dma_start3A_156] : memref<3200x64xbf16, #tpu.memory_space<hbm>> -> memref<3200x64xbf16, #tpu.memory_space<hbm>>
    tpu.enqueue_indirect_dma source(%dma_start3A_157 : memref<3200x64xbf16, #tpu.memory_space<hbm>>) target(%dma_start3A_151 : memref<128x64xbf16, #tpu.memory_space<vmem>>) offsets(%dma_start3A_154 : memref<128xi32, #tpu.memory_space<vmem>>) semaphore(%arg8 : memref<!tpu.dma_semaphore, #tpu.memory_space<semaphore_mem>>)
    %dma_start3A_158 = arith.constant 13 : i32
    %dma_start3A_159 = arith.constant 13 : i32
    %dma_start3A_160 = arith.constant 0 : i32
    %dma_start3A_161 = arith.constant 0 : i32
    %dma_start3A_162 = tpu.memref_slice %arg6[%dma_start3A_159, %dma_start3A_160, %dma_start3A_161] : memref<16x128x64xbf16, #tpu.memory_space<vmem>> -> memref<1x128x64xbf16, #tpu.memory_space<vmem>>
    %dma_start3A_163 = tpu.memref_squeeze %dma_start3A_162 : memref<1x128x64xbf16, #tpu.memory_space<vmem>> -> memref<128x64xbf16, #tpu.memory_space<vmem>>
    %dma_start3A_164 = arith.constant 0 : i32
    %dma_start3A_165 = tpu.memref_slice %arg5[%dma_start3A_158, %dma_start3A_164] : memref<100x128xi32, #tpu.memory_space<vmem>> -> memref<1x128xi32, #tpu.memory_space<vmem>>
    %dma_start3A_166 = tpu.memref_squeeze %dma_start3A_165 : memref<1x128xi32, #tpu.memory_space<vmem>> -> memref<128xi32, #tpu.memory_space<vmem>>
    %dma_start3A_167 = arith.constant 0 : i32
    %dma_start3A_168 = arith.constant 0 : i32
    %dma_start3A_169 = tpu.memref_slice %arg3[%dma_start3A_167, %dma_start3A_168] : memref<3200x64xbf16, #tpu.memory_space<hbm>> -> memref<3200x64xbf16, #tpu.memory_space<hbm>>
    tpu.enqueue_indirect_dma source(%dma_start3A_169 : memref<3200x64xbf16, #tpu.memory_space<hbm>>) target(%dma_start3A_163 : memref<128x64xbf16, #tpu.memory_space<vmem>>) offsets(%dma_start3A_166 : memref<128xi32, #tpu.memory_space<vmem>>) semaphore(%arg8 : memref<!tpu.dma_semaphore, #tpu.memory_space<semaphore_mem>>)
    %dma_start3A_170 = arith.constant 14 : i32
    %dma_start3A_171 = arith.constant 14 : i32
    %dma_start3A_172 = arith.constant 0 : i32
    %dma_start3A_173 = arith.constant 0 : i32
    %dma_start3A_174 = tpu.memref_slice %arg6[%dma_start3A_171, %dma_start3A_172, %dma_start3A_173] : memref<16x128x64xbf16, #tpu.memory_space<vmem>> -> memref<1x128x64xbf16, #tpu.memory_space<vmem>>
    %dma_start3A_175 = tpu.memref_squeeze %dma_start3A_174 : memref<1x128x64xbf16, #tpu.memory_space<vmem>> -> memref<128x64xbf16, #tpu.memory_space<vmem>>
    %dma_start3A_176 = arith.constant 0 : i32
    %dma_start3A_177 = tpu.memref_slice %arg5[%dma_start3A_170, %dma_start3A_176] : memref<100x128xi32, #tpu.memory_space<vmem>> -> memref<1x128xi32, #tpu.memory_space<vmem>>
    %dma_start3A_178 = tpu.memref_squeeze %dma_start3A_177 : memref<1x128xi32, #tpu.memory_space<vmem>> -> memref<128xi32, #tpu.memory_space<vmem>>
    %dma_start3A_179 = arith.constant 0 : i32
    %dma_start3A_180 = arith.constant 0 : i32
    %dma_start3A_181 = tpu.memref_slice %arg3[%dma_start3A_179, %dma_start3A_180] : memref<3200x64xbf16, #tpu.memory_space<hbm>> -> memref<3200x64xbf16, #tpu.memory_space<hbm>>
    tpu.enqueue_indirect_dma source(%dma_start3A_181 : memref<3200x64xbf16, #tpu.memory_space<hbm>>) target(%dma_start3A_175 : memref<128x64xbf16, #tpu.memory_space<vmem>>) offsets(%dma_start3A_178 : memref<128xi32, #tpu.memory_space<vmem>>) semaphore(%arg8 : memref<!tpu.dma_semaphore, #tpu.memory_space<semaphore_mem>>)
    %dma_start3A_182 = arith.constant 15 : i32
    %dma_start3A_183 = arith.constant 15 : i32
    %dma_start3A_184 = arith.constant 0 : i32
    %dma_start3A_185 = arith.constant 0 : i32
    %dma_start3A_186 = tpu.memref_slice %arg6[%dma_start3A_183, %dma_start3A_184, %dma_start3A_185] : memref<16x128x64xbf16, #tpu.memory_space<vmem>> -> memref<1x128x64xbf16, #tpu.memory_space<vmem>>
    %dma_start3A_187 = tpu.memref_squeeze %dma_start3A_186 : memref<1x128x64xbf16, #tpu.memory_space<vmem>> -> memref<128x64xbf16, #tpu.memory_space<vmem>>
    %dma_start3A_188 = arith.constant 0 : i32
    %dma_start3A_189 = tpu.memref_slice %arg5[%dma_start3A_182, %dma_start3A_188] : memref<100x128xi32, #tpu.memory_space<vmem>> -> memref<1x128xi32, #tpu.memory_space<vmem>>
    %dma_start3A_190 = tpu.memref_squeeze %dma_start3A_189 : memref<1x128xi32, #tpu.memory_space<vmem>> -> memref<128xi32, #tpu.memory_space<vmem>>
    %dma_start3A_191 = arith.constant 0 : i32
    %dma_start3A_192 = arith.constant 0 : i32
    %dma_start3A_193 = tpu.memref_slice %arg3[%dma_start3A_191, %dma_start3A_192] : memref<3200x64xbf16, #tpu.memory_space<hbm>> -> memref<3200x64xbf16, #tpu.memory_space<hbm>>
    tpu.enqueue_indirect_dma source(%dma_start3A_193 : memref<3200x64xbf16, #tpu.memory_space<hbm>>) target(%dma_start3A_187 : memref<128x64xbf16, #tpu.memory_space<vmem>>) offsets(%dma_start3A_190 : memref<128xi32, #tpu.memory_space<vmem>>) semaphore(%arg8 : memref<!tpu.dma_semaphore, #tpu.memory_space<semaphore_mem>>)
    %dma_wait3A = arith.constant 0 : i32
    %dma_wait3A_194 = arith.constant 0 : i32
    %dma_wait3A_195 = arith.constant 0 : i32
    %dma_wait3A_196 = arith.constant 0 : i32
    %dma_wait3A_197 = tpu.memref_slice %arg6[%dma_wait3A_194, %dma_wait3A_195, %dma_wait3A_196] : memref<16x128x64xbf16, #tpu.memory_space<vmem>> -> memref<1x128x64xbf16, #tpu.memory_space<vmem>>
    %dma_wait3A_198 = tpu.memref_squeeze %dma_wait3A_197 : memref<1x128x64xbf16, #tpu.memory_space<vmem>> -> memref<128x64xbf16, #tpu.memory_space<vmem>>
    %dma_wait3A_199 = arith.constant 0 : i32
    %dma_wait3A_200 = tpu.memref_slice %arg5[%dma_wait3A, %dma_wait3A_199] : memref<100x128xi32, #tpu.memory_space<vmem>> -> memref<1x128xi32, #tpu.memory_space<vmem>>
    %dma_wait3A_201 = tpu.memref_squeeze %dma_wait3A_200 : memref<1x128xi32, #tpu.memory_space<vmem>> -> memref<128xi32, #tpu.memory_space<vmem>>
    %dma_wait3A_202 = arith.constant 0 : i32
    %dma_wait3A_203 = arith.constant 0 : i32
    %dma_wait3A_204 = tpu.memref_slice %arg3[%dma_wait3A_202, %dma_wait3A_203] : memref<3200x64xbf16, #tpu.memory_space<hbm>> -> memref<3200x64xbf16, #tpu.memory_space<hbm>>
    tpu.wait_indirect_dma semaphore(%arg8 : memref<!tpu.dma_semaphore, #tpu.memory_space<semaphore_mem>>) src(%dma_wait3A_204 : memref<3200x64xbf16, #tpu.memory_space<hbm>>) dst(%dma_wait3A_198 : memref<128x64xbf16, #tpu.memory_space<vmem>>)
    %dma_wait3A_205 = arith.constant 0 : i32
    %dma_wait3A_206 = arith.constant 0 : i32
    %dma_wait3A_207 = arith.constant 0 : i32
    %dma_wait3A_208 = arith.constant 0 : i32
    %dma_wait3A_209 = tpu.memref_slice %arg6[%dma_wait3A_206, %dma_wait3A_207, %dma_wait3A_208] : memref<16x128x64xbf16, #tpu.memory_space<vmem>> -> memref<1x128x64xbf16, #tpu.memory_space<vmem>>
    %dma_wait3A_210 = tpu.memref_squeeze %dma_wait3A_209 : memref<1x128x64xbf16, #tpu.memory_space<vmem>> -> memref<128x64xbf16, #tpu.memory_space<vmem>>
    %dma_wait3A_211 = arith.constant 0 : i32
    %dma_wait3A_212 = tpu.memref_slice %arg5[%dma_wait3A_205, %dma_wait3A_211] : memref<100x128xi32, #tpu.memory_space<vmem>> -> memref<1x128xi32, #tpu.memory_space<vmem>>
    %dma_wait3A_213 = tpu.memref_squeeze %dma_wait3A_212 : memref<1x128xi32, #tpu.memory_space<vmem>> -> memref<128xi32, #tpu.memory_space<vmem>>
    %dma_wait3A_214 = arith.constant 0 : i32
    %dma_wait3A_215 = arith.constant 0 : i32
    %dma_wait3A_216 = tpu.memref_slice %arg3[%dma_wait3A_214, %dma_wait3A_215] : memref<3200x64xbf16, #tpu.memory_space<hbm>> -> memref<3200x64xbf16, #tpu.memory_space<hbm>>
    tpu.wait_indirect_dma semaphore(%arg8 : memref<!tpu.dma_semaphore, #tpu.memory_space<semaphore_mem>>) src(%dma_wait3A_216 : memref<3200x64xbf16, #tpu.memory_space<hbm>>) dst(%dma_wait3A_210 : memref<128x64xbf16, #tpu.memory_space<vmem>>)
    %dma_wait3A_217 = arith.constant 0 : i32
    %dma_wait3A_218 = arith.constant 0 : i32
    %dma_wait3A_219 = arith.constant 0 : i32
    %dma_wait3A_220 = arith.constant 0 : i32
    %dma_wait3A_221 = tpu.memref_slice %arg6[%dma_wait3A_218, %dma_wait3A_219, %dma_wait3A_220] : memref<16x128x64xbf16, #tpu.memory_space<vmem>> -> memref<1x128x64xbf16, #tpu.memory_space<vmem>>
    %dma_wait3A_222 = tpu.memref_squeeze %dma_wait3A_221 : memref<1x128x64xbf16, #tpu.memory_space<vmem>> -> memref<128x64xbf16, #tpu.memory_space<vmem>>
    %dma_wait3A_223 = arith.constant 0 : i32
    %dma_wait3A_224 = tpu.memref_slice %arg5[%dma_wait3A_217, %dma_wait3A_223] : memref<100x128xi32, #tpu.memory_space<vmem>> -> memref<1x128xi32, #tpu.memory_space<vmem>>
    %dma_wait3A_225 = tpu.memref_squeeze %dma_wait3A_224 : memref<1x128xi32, #tpu.memory_space<vmem>> -> memref<128xi32, #tpu.memory_space<vmem>>
    %dma_wait3A_226 = arith.constant 0 : i32
    %dma_wait3A_227 = arith.constant 0 : i32
    %dma_wait3A_228 = tpu.memref_slice %arg3[%dma_wait3A_226, %dma_wait3A_227] : memref<3200x64xbf16, #tpu.memory_space<hbm>> -> memref<3200x64xbf16, #tpu.memory_space<hbm>>
    tpu.wait_indirect_dma semaphore(%arg8 : memref<!tpu.dma_semaphore, #tpu.memory_space<semaphore_mem>>) src(%dma_wait3A_228 : memref<3200x64xbf16, #tpu.memory_space<hbm>>) dst(%dma_wait3A_222 : memref<128x64xbf16, #tpu.memory_space<vmem>>)
    %dma_wait3A_229 = arith.constant 0 : i32
    %dma_wait3A_230 = arith.constant 0 : i32
    %dma_wait3A_231 = arith.constant 0 : i32
    %dma_wait3A_232 = arith.constant 0 : i32
    %dma_wait3A_233 = tpu.memref_slice %arg6[%dma_wait3A_230, %dma_wait3A_231, %dma_wait3A_232] : memref<16x128x64xbf16, #tpu.memory_space<vmem>> -> memref<1x128x64xbf16, #tpu.memory_space<vmem>>
    %dma_wait3A_234 = tpu.memref_squeeze %dma_wait3A_233 : memref<1x128x64xbf16, #tpu.memory_space<vmem>> -> memref<128x64xbf16, #tpu.memory_space<vmem>>
    %dma_wait3A_235 = arith.constant 0 : i32
    %dma_wait3A_236 = tpu.memref_slice %arg5[%dma_wait3A_229, %dma_wait3A_235] : memref<100x128xi32, #tpu.memory_space<vmem>> -> memref<1x128xi32, #tpu.memory_space<vmem>>
    %dma_wait3A_237 = tpu.memref_squeeze %dma_wait3A_236 : memref<1x128xi32, #tpu.memory_space<vmem>> -> memref<128xi32, #tpu.memory_space<vmem>>
    %dma_wait3A_238 = arith.constant 0 : i32
    %dma_wait3A_239 = arith.constant 0 : i32
    %dma_wait3A_240 = tpu.memref_slice %arg3[%dma_wait3A_238, %dma_wait3A_239] : memref<3200x64xbf16, #tpu.memory_space<hbm>> -> memref<3200x64xbf16, #tpu.memory_space<hbm>>
    tpu.wait_indirect_dma semaphore(%arg8 : memref<!tpu.dma_semaphore, #tpu.memory_space<semaphore_mem>>) src(%dma_wait3A_240 : memref<3200x64xbf16, #tpu.memory_space<hbm>>) dst(%dma_wait3A_234 : memref<128x64xbf16, #tpu.memory_space<vmem>>)
    %dma_wait3A_241 = arith.constant 0 : i32
    %dma_wait3A_242 = arith.constant 0 : i32
    %dma_wait3A_243 = arith.constant 0 : i32
    %dma_wait3A_244 = arith.constant 0 : i32
    %dma_wait3A_245 = tpu.memref_slice %arg6[%dma_wait3A_242, %dma_wait3A_243, %dma_wait3A_244] : memref<16x128x64xbf16, #tpu.memory_space<vmem>> -> memref<1x128x64xbf16, #tpu.memory_space<vmem>>
    %dma_wait3A_246 = tpu.memref_squeeze %dma_wait3A_245 : memref<1x128x64xbf16, #tpu.memory_space<vmem>> -> memref<128x64xbf16, #tpu.memory_space<vmem>>
    %dma_wait3A_247 = arith.constant 0 : i32
    %dma_wait3A_248 = tpu.memref_slice %arg5[%dma_wait3A_241, %dma_wait3A_247] : memref<100x128xi32, #tpu.memory_space<vmem>> -> memref<1x128xi32, #tpu.memory_space<vmem>>
    %dma_wait3A_249 = tpu.memref_squeeze %dma_wait3A_248 : memref<1x128xi32, #tpu.memory_space<vmem>> -> memref<128xi32, #tpu.memory_space<vmem>>
    %dma_wait3A_250 = arith.constant 0 : i32
    %dma_wait3A_251 = arith.constant 0 : i32
    %dma_wait3A_252 = tpu.memref_slice %arg3[%dma_wait3A_250, %dma_wait3A_251] : memref<3200x64xbf16, #tpu.memory_space<hbm>> -> memref<3200x64xbf16, #tpu.memory_space<hbm>>
    tpu.wait_indirect_dma semaphore(%arg8 : memref<!tpu.dma_semaphore, #tpu.memory_space<semaphore_mem>>) src(%dma_wait3A_252 : memref<3200x64xbf16, #tpu.memory_space<hbm>>) dst(%dma_wait3A_246 : memref<128x64xbf16, #tpu.memory_space<vmem>>)
    %dma_wait3A_253 = arith.constant 0 : i32
    %dma_wait3A_254 = arith.constant 0 : i32
    %dma_wait3A_255 = arith.constant 0 : i32
    %dma_wait3A_256 = arith.constant 0 : i32
    %dma_wait3A_257 = tpu.memref_slice %arg6[%dma_wait3A_254, %dma_wait3A_255, %dma_wait3A_256] : memref<16x128x64xbf16, #tpu.memory_space<vmem>> -> memref<1x128x64xbf16, #tpu.memory_space<vmem>>
    %dma_wait3A_258 = tpu.memref_squeeze %dma_wait3A_257 : memref<1x128x64xbf16, #tpu.memory_space<vmem>> -> memref<128x64xbf16, #tpu.memory_space<vmem>>
    %dma_wait3A_259 = arith.constant 0 : i32
    %dma_wait3A_260 = tpu.memref_slice %arg5[%dma_wait3A_253, %dma_wait3A_259] : memref<100x128xi32, #tpu.memory_space<vmem>> -> memref<1x128xi32, #tpu.memory_space<vmem>>
    %dma_wait3A_261 = tpu.memref_squeeze %dma_wait3A_260 : memref<1x128xi32, #tpu.memory_space<vmem>> -> memref<128xi32, #tpu.memory_space<vmem>>
    %dma_wait3A_262 = arith.constant 0 : i32
    %dma_wait3A_263 = arith.constant 0 : i32
    %dma_wait3A_264 = tpu.memref_slice %arg3[%dma_wait3A_262, %dma_wait3A_263] : memref<3200x64xbf16, #tpu.memory_space<hbm>> -> memref<3200x64xbf16, #tpu.memory_space<hbm>>
    tpu.wait_indirect_dma semaphore(%arg8 : memref<!tpu.dma_semaphore, #tpu.memory_space<semaphore_mem>>) src(%dma_wait3A_264 : memref<3200x64xbf16, #tpu.memory_space<hbm>>) dst(%dma_wait3A_258 : memref<128x64xbf16, #tpu.memory_space<vmem>>)
    %dma_wait3A_265 = arith.constant 0 : i32
    %dma_wait3A_266 = arith.constant 0 : i32
    %dma_wait3A_267 = arith.constant 0 : i32
    %dma_wait3A_268 = arith.constant 0 : i32
    %dma_wait3A_269 = tpu.memref_slice %arg6[%dma_wait3A_266, %dma_wait3A_267, %dma_wait3A_268] : memref<16x128x64xbf16, #tpu.memory_space<vmem>> -> memref<1x128x64xbf16, #tpu.memory_space<vmem>>
    %dma_wait3A_270 = tpu.memref_squeeze %dma_wait3A_269 : memref<1x128x64xbf16, #tpu.memory_space<vmem>> -> memref<128x64xbf16, #tpu.memory_space<vmem>>
    %dma_wait3A_271 = arith.constant 0 : i32
    %dma_wait3A_272 = tpu.memref_slice %arg5[%dma_wait3A_265, %dma_wait3A_271] : memref<100x128xi32, #tpu.memory_space<vmem>> -> memref<1x128xi32, #tpu.memory_space<vmem>>
    %dma_wait3A_273 = tpu.memref_squeeze %dma_wait3A_272 : memref<1x128xi32, #tpu.memory_space<vmem>> -> memref<128xi32, #tpu.memory_space<vmem>>
    %dma_wait3A_274 = arith.constant 0 : i32
    %dma_wait3A_275 = arith.constant 0 : i32
    %dma_wait3A_276 = tpu.memref_slice %arg3[%dma_wait3A_274, %dma_wait3A_275] : memref<3200x64xbf16, #tpu.memory_space<hbm>> -> memref<3200x64xbf16, #tpu.memory_space<hbm>>
    tpu.wait_indirect_dma semaphore(%arg8 : memref<!tpu.dma_semaphore, #tpu.memory_space<semaphore_mem>>) src(%dma_wait3A_276 : memref<3200x64xbf16, #tpu.memory_space<hbm>>) dst(%dma_wait3A_270 : memref<128x64xbf16, #tpu.memory_space<vmem>>)
    %dma_wait3A_277 = arith.constant 0 : i32
    %dma_wait3A_278 = arith.constant 0 : i32
    %dma_wait3A_279 = arith.constant 0 : i32
    %dma_wait3A_280 = arith.constant 0 : i32
    %dma_wait3A_281 = tpu.memref_slice %arg6[%dma_wait3A_278, %dma_wait3A_279, %dma_wait3A_280] : memref<16x128x64xbf16, #tpu.memory_space<vmem>> -> memref<1x128x64xbf16, #tpu.memory_space<vmem>>
    %dma_wait3A_282 = tpu.memref_squeeze %dma_wait3A_281 : memref<1x128x64xbf16, #tpu.memory_space<vmem>> -> memref<128x64xbf16, #tpu.memory_space<vmem>>
    %dma_wait3A_283 = arith.constant 0 : i32
    %dma_wait3A_284 = tpu.memref_slice %arg5[%dma_wait3A_277, %dma_wait3A_283] : memref<100x128xi32, #tpu.memory_space<vmem>> -> memref<1x128xi32, #tpu.memory_space<vmem>>
    %dma_wait3A_285 = tpu.memref_squeeze %dma_wait3A_284 : memref<1x128xi32, #tpu.memory_space<vmem>> -> memref<128xi32, #tpu.memory_space<vmem>>
    %dma_wait3A_286 = arith.constant 0 : i32
    %dma_wait3A_287 = arith.constant 0 : i32
    %dma_wait3A_288 = tpu.memref_slice %arg3[%dma_wait3A_286, %dma_wait3A_287] : memref<3200x64xbf16, #tpu.memory_space<hbm>> -> memref<3200x64xbf16, #tpu.memory_space<hbm>>
    tpu.wait_indirect_dma semaphore(%arg8 : memref<!tpu.dma_semaphore, #tpu.memory_space<semaphore_mem>>) src(%dma_wait3A_288 : memref<3200x64xbf16, #tpu.memory_space<hbm>>) dst(%dma_wait3A_282 : memref<128x64xbf16, #tpu.memory_space<vmem>>)
    %dma_wait3A_289 = arith.constant 0 : i32
    %dma_wait3A_290 = arith.constant 0 : i32
    %dma_wait3A_291 = arith.constant 0 : i32
    %dma_wait3A_292 = arith.constant 0 : i32
    %dma_wait3A_293 = tpu.memref_slice %arg6[%dma_wait3A_290, %dma_wait3A_291, %dma_wait3A_292] : memref<16x128x64xbf16, #tpu.memory_space<vmem>> -> memref<1x128x64xbf16, #tpu.memory_space<vmem>>
    %dma_wait3A_294 = tpu.memref_squeeze %dma_wait3A_293 : memref<1x128x64xbf16, #tpu.memory_space<vmem>> -> memref<128x64xbf16, #tpu.memory_space<vmem>>
    %dma_wait3A_295 = arith.constant 0 : i32
    %dma_wait3A_296 = tpu.memref_slice %arg5[%dma_wait3A_289, %dma_wait3A_295] : memref<100x128xi32, #tpu.memory_space<vmem>> -> memref<1x128xi32, #tpu.memory_space<vmem>>
    %dma_wait3A_297 = tpu.memref_squeeze %dma_wait3A_296 : memref<1x128xi32, #tpu.memory_space<vmem>> -> memref<128xi32, #tpu.memory_space<vmem>>
    %dma_wait3A_298 = arith.constant 0 : i32
    %dma_wait3A_299 = arith.constant 0 : i32
    %dma_wait3A_300 = tpu.memref_slice %arg3[%dma_wait3A_298, %dma_wait3A_299] : memref<3200x64xbf16, #tpu.memory_space<hbm>> -> memref<3200x64xbf16, #tpu.memory_space<hbm>>
    tpu.wait_indirect_dma semaphore(%arg8 : memref<!tpu.dma_semaphore, #tpu.memory_space<semaphore_mem>>) src(%dma_wait3A_300 : memref<3200x64xbf16, #tpu.memory_space<hbm>>) dst(%dma_wait3A_294 : memref<128x64xbf16, #tpu.memory_space<vmem>>)
    %dma_wait3A_301 = arith.constant 0 : i32
    %dma_wait3A_302 = arith.constant 0 : i32
    %dma_wait3A_303 = arith.constant 0 : i32
    %dma_wait3A_304 = arith.constant 0 : i32
    %dma_wait3A_305 = tpu.memref_slice %arg6[%dma_wait3A_302, %dma_wait3A_303, %dma_wait3A_304] : memref<16x128x64xbf16, #tpu.memory_space<vmem>> -> memref<1x128x64xbf16, #tpu.memory_space<vmem>>
    %dma_wait3A_306 = tpu.memref_squeeze %dma_wait3A_305 : memref<1x128x64xbf16, #tpu.memory_space<vmem>> -> memref<128x64xbf16, #tpu.memory_space<vmem>>
    %dma_wait3A_307 = arith.constant 0 : i32
    %dma_wait3A_308 = tpu.memref_slice %arg5[%dma_wait3A_301, %dma_wait3A_307] : memref<100x128xi32, #tpu.memory_space<vmem>> -> memref<1x128xi32, #tpu.memory_space<vmem>>
    %dma_wait3A_309 = tpu.memref_squeeze %dma_wait3A_308 : memref<1x128xi32, #tpu.memory_space<vmem>> -> memref<128xi32, #tpu.memory_space<vmem>>
    %dma_wait3A_310 = arith.constant 0 : i32
    %dma_wait3A_311 = arith.constant 0 : i32
    %dma_wait3A_312 = tpu.memref_slice %arg3[%dma_wait3A_310, %dma_wait3A_311] : memref<3200x64xbf16, #tpu.memory_space<hbm>> -> memref<3200x64xbf16, #tpu.memory_space<hbm>>
    tpu.wait_indirect_dma semaphore(%arg8 : memref<!tpu.dma_semaphore, #tpu.memory_space<semaphore_mem>>) src(%dma_wait3A_312 : memref<3200x64xbf16, #tpu.memory_space<hbm>>) dst(%dma_wait3A_306 : memref<128x64xbf16, #tpu.memory_space<vmem>>)
    %dma_wait3A_313 = arith.constant 0 : i32
    %dma_wait3A_314 = arith.constant 0 : i32
    %dma_wait3A_315 = arith.constant 0 : i32
    %dma_wait3A_316 = arith.constant 0 : i32
    %dma_wait3A_317 = tpu.memref_slice %arg6[%dma_wait3A_314, %dma_wait3A_315, %dma_wait3A_316] : memref<16x128x64xbf16, #tpu.memory_space<vmem>> -> memref<1x128x64xbf16, #tpu.memory_space<vmem>>
    %dma_wait3A_318 = tpu.memref_squeeze %dma_wait3A_317 : memref<1x128x64xbf16, #tpu.memory_space<vmem>> -> memref<128x64xbf16, #tpu.memory_space<vmem>>
    %dma_wait3A_319 = arith.constant 0 : i32
    %dma_wait3A_320 = tpu.memref_slice %arg5[%dma_wait3A_313, %dma_wait3A_319] : memref<100x128xi32, #tpu.memory_space<vmem>> -> memref<1x128xi32, #tpu.memory_space<vmem>>
    %dma_wait3A_321 = tpu.memref_squeeze %dma_wait3A_320 : memref<1x128xi32, #tpu.memory_space<vmem>> -> memref<128xi32, #tpu.memory_space<vmem>>
    %dma_wait3A_322 = arith.constant 0 : i32
    %dma_wait3A_323 = arith.constant 0 : i32
    %dma_wait3A_324 = tpu.memref_slice %arg3[%dma_wait3A_322, %dma_wait3A_323] : memref<3200x64xbf16, #tpu.memory_space<hbm>> -> memref<3200x64xbf16, #tpu.memory_space<hbm>>
    tpu.wait_indirect_dma semaphore(%arg8 : memref<!tpu.dma_semaphore, #tpu.memory_space<semaphore_mem>>) src(%dma_wait3A_324 : memref<3200x64xbf16, #tpu.memory_space<hbm>>) dst(%dma_wait3A_318 : memref<128x64xbf16, #tpu.memory_space<vmem>>)
    %dma_wait3A_325 = arith.constant 0 : i32
    %dma_wait3A_326 = arith.constant 0 : i32
    %dma_wait3A_327 = arith.constant 0 : i32
    %dma_wait3A_328 = arith.constant 0 : i32
    %dma_wait3A_329 = tpu.memref_slice %arg6[%dma_wait3A_326, %dma_wait3A_327, %dma_wait3A_328] : memref<16x128x64xbf16, #tpu.memory_space<vmem>> -> memref<1x128x64xbf16, #tpu.memory_space<vmem>>
    %dma_wait3A_330 = tpu.memref_squeeze %dma_wait3A_329 : memref<1x128x64xbf16, #tpu.memory_space<vmem>> -> memref<128x64xbf16, #tpu.memory_space<vmem>>
    %dma_wait3A_331 = arith.constant 0 : i32
    %dma_wait3A_332 = tpu.memref_slice %arg5[%dma_wait3A_325, %dma_wait3A_331] : memref<100x128xi32, #tpu.memory_space<vmem>> -> memref<1x128xi32, #tpu.memory_space<vmem>>
    %dma_wait3A_333 = tpu.memref_squeeze %dma_wait3A_332 : memref<1x128xi32, #tpu.memory_space<vmem>> -> memref<128xi32, #tpu.memory_space<vmem>>
    %dma_wait3A_334 = arith.constant 0 : i32
    %dma_wait3A_335 = arith.constant 0 : i32
    %dma_wait3A_336 = tpu.memref_slice %arg3[%dma_wait3A_334, %dma_wait3A_335] : memref<3200x64xbf16, #tpu.memory_space<hbm>> -> memref<3200x64xbf16, #tpu.memory_space<hbm>>
    tpu.wait_indirect_dma semaphore(%arg8 : memref<!tpu.dma_semaphore, #tpu.memory_space<semaphore_mem>>) src(%dma_wait3A_336 : memref<3200x64xbf16, #tpu.memory_space<hbm>>) dst(%dma_wait3A_330 : memref<128x64xbf16, #tpu.memory_space<vmem>>)
    %dma_wait3A_337 = arith.constant 0 : i32
    %dma_wait3A_338 = arith.constant 0 : i32
    %dma_wait3A_339 = arith.constant 0 : i32
    %dma_wait3A_340 = arith.constant 0 : i32
    %dma_wait3A_341 = tpu.memref_slice %arg6[%dma_wait3A_338, %dma_wait3A_339, %dma_wait3A_340] : memref<16x128x64xbf16, #tpu.memory_space<vmem>> -> memref<1x128x64xbf16, #tpu.memory_space<vmem>>
    %dma_wait3A_342 = tpu.memref_squeeze %dma_wait3A_341 : memref<1x128x64xbf16, #tpu.memory_space<vmem>> -> memref<128x64xbf16, #tpu.memory_space<vmem>>
    %dma_wait3A_343 = arith.constant 0 : i32
    %dma_wait3A_344 = tpu.memref_slice %arg5[%dma_wait3A_337, %dma_wait3A_343] : memref<100x128xi32, #tpu.memory_space<vmem>> -> memref<1x128xi32, #tpu.memory_space<vmem>>
    %dma_wait3A_345 = tpu.memref_squeeze %dma_wait3A_344 : memref<1x128xi32, #tpu.memory_space<vmem>> -> memref<128xi32, #tpu.memory_space<vmem>>
    %dma_wait3A_346 = arith.constant 0 : i32
    %dma_wait3A_347 = arith.constant 0 : i32
    %dma_wait3A_348 = tpu.memref_slice %arg3[%dma_wait3A_346, %dma_wait3A_347] : memref<3200x64xbf16, #tpu.memory_space<hbm>> -> memref<3200x64xbf16, #tpu.memory_space<hbm>>
    tpu.wait_indirect_dma semaphore(%arg8 : memref<!tpu.dma_semaphore, #tpu.memory_space<semaphore_mem>>) src(%dma_wait3A_348 : memref<3200x64xbf16, #tpu.memory_space<hbm>>) dst(%dma_wait3A_342 : memref<128x64xbf16, #tpu.memory_space<vmem>>)
    %dma_wait3A_349 = arith.constant 0 : i32
    %dma_wait3A_350 = arith.constant 0 : i32
    %dma_wait3A_351 = arith.constant 0 : i32
    %dma_wait3A_352 = arith.constant 0 : i32
    %dma_wait3A_353 = tpu.memref_slice %arg6[%dma_wait3A_350, %dma_wait3A_351, %dma_wait3A_352] : memref<16x128x64xbf16, #tpu.memory_space<vmem>> -> memref<1x128x64xbf16, #tpu.memory_space<vmem>>
    %dma_wait3A_354 = tpu.memref_squeeze %dma_wait3A_353 : memref<1x128x64xbf16, #tpu.memory_space<vmem>> -> memref<128x64xbf16, #tpu.memory_space<vmem>>
    %dma_wait3A_355 = arith.constant 0 : i32
    %dma_wait3A_356 = tpu.memref_slice %arg5[%dma_wait3A_349, %dma_wait3A_355] : memref<100x128xi32, #tpu.memory_space<vmem>> -> memref<1x128xi32, #tpu.memory_space<vmem>>
    %dma_wait3A_357 = tpu.memref_squeeze %dma_wait3A_356 : memref<1x128xi32, #tpu.memory_space<vmem>> -> memref<128xi32, #tpu.memory_space<vmem>>
    %dma_wait3A_358 = arith.constant 0 : i32
    %dma_wait3A_359 = arith.constant 0 : i32
    %dma_wait3A_360 = tpu.memref_slice %arg3[%dma_wait3A_358, %dma_wait3A_359] : memref<3200x64xbf16, #tpu.memory_space<hbm>> -> memref<3200x64xbf16, #tpu.memory_space<hbm>>
    tpu.wait_indirect_dma semaphore(%arg8 : memref<!tpu.dma_semaphore, #tpu.memory_space<semaphore_mem>>) src(%dma_wait3A_360 : memref<3200x64xbf16, #tpu.memory_space<hbm>>) dst(%dma_wait3A_354 : memref<128x64xbf16, #tpu.memory_space<vmem>>)
    %dma_wait3A_361 = arith.constant 0 : i32
    %dma_wait3A_362 = arith.constant 0 : i32
    %dma_wait3A_363 = arith.constant 0 : i32
    %dma_wait3A_364 = arith.constant 0 : i32
    %dma_wait3A_365 = tpu.memref_slice %arg6[%dma_wait3A_362, %dma_wait3A_363, %dma_wait3A_364] : memref<16x128x64xbf16, #tpu.memory_space<vmem>> -> memref<1x128x64xbf16, #tpu.memory_space<vmem>>
    %dma_wait3A_366 = tpu.memref_squeeze %dma_wait3A_365 : memref<1x128x64xbf16, #tpu.memory_space<vmem>> -> memref<128x64xbf16, #tpu.memory_space<vmem>>
    %dma_wait3A_367 = arith.constant 0 : i32
    %dma_wait3A_368 = tpu.memref_slice %arg5[%dma_wait3A_361, %dma_wait3A_367] : memref<100x128xi32, #tpu.memory_space<vmem>> -> memref<1x128xi32, #tpu.memory_space<vmem>>
    %dma_wait3A_369 = tpu.memref_squeeze %dma_wait3A_368 : memref<1x128xi32, #tpu.memory_space<vmem>> -> memref<128xi32, #tpu.memory_space<vmem>>
    %dma_wait3A_370 = arith.constant 0 : i32
    %dma_wait3A_371 = arith.constant 0 : i32
    %dma_wait3A_372 = tpu.memref_slice %arg3[%dma_wait3A_370, %dma_wait3A_371] : memref<3200x64xbf16, #tpu.memory_space<hbm>> -> memref<3200x64xbf16, #tpu.memory_space<hbm>>
    tpu.wait_indirect_dma semaphore(%arg8 : memref<!tpu.dma_semaphore, #tpu.memory_space<semaphore_mem>>) src(%dma_wait3A_372 : memref<3200x64xbf16, #tpu.memory_space<hbm>>) dst(%dma_wait3A_366 : memref<128x64xbf16, #tpu.memory_space<vmem>>)
    %dma_wait3A_373 = arith.constant 0 : i32
    %dma_wait3A_374 = arith.constant 0 : i32
    %dma_wait3A_375 = arith.constant 0 : i32
    %dma_wait3A_376 = arith.constant 0 : i32
    %dma_wait3A_377 = tpu.memref_slice %arg6[%dma_wait3A_374, %dma_wait3A_375, %dma_wait3A_376] : memref<16x128x64xbf16, #tpu.memory_space<vmem>> -> memref<1x128x64xbf16, #tpu.memory_space<vmem>>
    %dma_wait3A_378 = tpu.memref_squeeze %dma_wait3A_377 : memref<1x128x64xbf16, #tpu.memory_space<vmem>> -> memref<128x64xbf16, #tpu.memory_space<vmem>>
    %dma_wait3A_379 = arith.constant 0 : i32
    %dma_wait3A_380 = tpu.memref_slice %arg5[%dma_wait3A_373, %dma_wait3A_379] : memref<100x128xi32, #tpu.memory_space<vmem>> -> memref<1x128xi32, #tpu.memory_space<vmem>>
    %dma_wait3A_381 = tpu.memref_squeeze %dma_wait3A_380 : memref<1x128xi32, #tpu.memory_space<vmem>> -> memref<128xi32, #tpu.memory_space<vmem>>
    %dma_wait3A_382 = arith.constant 0 : i32
    %dma_wait3A_383 = arith.constant 0 : i32
    %dma_wait3A_384 = tpu.memref_slice %arg3[%dma_wait3A_382, %dma_wait3A_383] : memref<3200x64xbf16, #tpu.memory_space<hbm>> -> memref<3200x64xbf16, #tpu.memory_space<hbm>>
    tpu.wait_indirect_dma semaphore(%arg8 : memref<!tpu.dma_semaphore, #tpu.memory_space<semaphore_mem>>) src(%dma_wait3A_384 : memref<3200x64xbf16, #tpu.memory_space<hbm>>) dst(%dma_wait3A_378 : memref<128x64xbf16, #tpu.memory_space<vmem>>)
    %scan3A = arith.constant 0 : i32
    %scan3A_385 = arith.constant 16 : i32
    %scan3A_386 = arith.constant 84 : i32
    %scan3A_387 = arith.addi %scan3A_385, %scan3A_386 : i32
    %scan3A_388 = arith.constant 1 : i32
    scf.for %scan3A_407 = %scan3A_385 to %scan3A_387 step %scan3A_388  : i32 {
      %rem3A = arith.constant 16 : i32
      %rem3A_408 = arith.remsi %scan3A_407, %rem3A : i32
      %dma_start3A_409 = arith.constant 0 : i32
      %dma_start3A_410 = arith.constant 0 : i32
      %dma_start3A_411 = tpu.memref_slice %arg6[%rem3A_408, %dma_start3A_409, %dma_start3A_410] : memref<16x128x64xbf16, #tpu.memory_space<vmem>> -> memref<1x128x64xbf16, #tpu.memory_space<vmem>>
      %dma_start3A_412 = tpu.memref_squeeze %dma_start3A_411 : memref<1x128x64xbf16, #tpu.memory_space<vmem>> -> memref<128x64xbf16, #tpu.memory_space<vmem>>
      %dma_start3A_413 = arith.constant 0 : i32
      %dma_start3A_414 = tpu.memref_slice %arg5[%scan3A_407, %dma_start3A_413] : memref<100x128xi32, #tpu.memory_space<vmem>> -> memref<1x128xi32, #tpu.memory_space<vmem>>
      %dma_start3A_415 = tpu.memref_squeeze %dma_start3A_414 : memref<1x128xi32, #tpu.memory_space<vmem>> -> memref<128xi32, #tpu.memory_space<vmem>>
      %dma_start3A_416 = arith.constant 0 : i32
      %dma_start3A_417 = arith.constant 0 : i32
      %dma_start3A_418 = tpu.memref_slice %arg3[%dma_start3A_416, %dma_start3A_417] : memref<3200x64xbf16, #tpu.memory_space<hbm>> -> memref<3200x64xbf16, #tpu.memory_space<hbm>>
      tpu.enqueue_indirect_dma source(%dma_start3A_418 : memref<3200x64xbf16, #tpu.memory_space<hbm>>) target(%dma_start3A_412 : memref<128x64xbf16, #tpu.memory_space<vmem>>) offsets(%dma_start3A_415 : memref<128xi32, #tpu.memory_space<vmem>>) semaphore(%arg8 : memref<!tpu.dma_semaphore, #tpu.memory_space<semaphore_mem>>) {add = true}
    }
    %scan3A_389 = arith.constant 84 : i32
    %scan3A_390 = arith.constant 0 : i32
    %scan3A_391 = arith.constant 16 : i32
    %scan3A_392 = arith.constant 84 : i32
    %scan3A_393 = arith.addi %scan3A_391, %scan3A_392 : i32
    %scan3A_394 = arith.constant 1 : i32
    scf.for %scan3A_407 = %scan3A_391 to %scan3A_393 step %scan3A_394  : i32 {
      %dma_wait3A_408 = arith.constant 0 : i32
      %dma_wait3A_409 = arith.constant 0 : i32
      %dma_wait3A_410 = arith.constant 0 : i32
      %dma_wait3A_411 = arith.constant 0 : i32
      %dma_wait3A_412 = tpu.memref_slice %arg6[%dma_wait3A_409, %dma_wait3A_410, %dma_wait3A_411] : memref<16x128x64xbf16, #tpu.memory_space<vmem>> -> memref<1x128x64xbf16, #tpu.memory_space<vmem>>
      %dma_wait3A_413 = tpu.memref_squeeze %dma_wait3A_412 : memref<1x128x64xbf16, #tpu.memory_space<vmem>> -> memref<128x64xbf16, #tpu.memory_space<vmem>>
      %dma_wait3A_414 = arith.constant 0 : i32
      %dma_wait3A_415 = tpu.memref_slice %arg5[%dma_wait3A_408, %dma_wait3A_414] : memref<100x128xi32, #tpu.memory_space<vmem>> -> memref<1x128xi32, #tpu.memory_space<vmem>>
      %dma_wait3A_416 = tpu.memref_squeeze %dma_wait3A_415 : memref<1x128xi32, #tpu.memory_space<vmem>> -> memref<128xi32, #tpu.memory_space<vmem>>
      %dma_wait3A_417 = arith.constant 0 : i32
      %dma_wait3A_418 = arith.constant 0 : i32
      %dma_wait3A_419 = tpu.memref_slice %arg3[%dma_wait3A_417, %dma_wait3A_418] : memref<3200x64xbf16, #tpu.memory_space<hbm>> -> memref<3200x64xbf16, #tpu.memory_space<hbm>>
      tpu.wait_indirect_dma semaphore(%arg8 : memref<!tpu.dma_semaphore, #tpu.memory_space<semaphore_mem>>) src(%dma_wait3A_419 : memref<3200x64xbf16, #tpu.memory_space<hbm>>) dst(%dma_wait3A_413 : memref<128x64xbf16, #tpu.memory_space<vmem>>)
    }
    %scan3A_395 = arith.constant 84 : i32
    %iota3A = tpu.iota {dimensions = array<i32: 0>} : vector<16xi32>
    %broadcast_in_dim3A = arith.constant 0.00999999977 : f32
    %broadcast_in_dim3A_396 = vector.broadcast %broadcast_in_dim3A : f32 to vector<16xf32>
    %broadcast_in_dim3A_397 = arith.constant -65536 : i32
    %broadcast_in_dim3A_398 = vector.broadcast %broadcast_in_dim3A_397 : i32 to vector<16xi32>
    %scan3A_399 = arith.constant 0 : i32
    %scan3A_400 = arith.constant 0 : i32
    %scan3A_401 = arith.constant 128 : i32
    %scan3A_402 = arith.addi %scan3A_400, %scan3A_401 : i32
    %scan3A_403 = arith.constant 1 : i32
    scf.for %scan3A_407 = %scan3A_400 to %scan3A_402 step %scan3A_403  : i32 {
      %broadcast_in_dim3A_408 = arith.constant 0.000000e+00 : f32
      %broadcast_in_dim3A_409 = vector.broadcast %broadcast_in_dim3A_408 : f32 to vector<16xf32>
      %broadcast_in_dim3A_410 = arith.constant 0.000000e+00 : f32
      %broadcast_in_dim3A_411 = vector.broadcast %broadcast_in_dim3A_410 : f32 to vector<16xf32>
      %get3A = arith.constant 0 : i32
      %get3A_412 = arith.index_cast %get3A : i32 to index
      %get3A_413 = arith.index_cast %scan3A_407 : i32 to index
      %get3A_414 = arith.constant 0 : index
      %get3A_415 = tpu.vector_load %arg6[%get3A_412, %get3A_413, %get3A_414] {strides = array<i32>} : memref<16x128x64xbf16, #tpu.memory_space<vmem>>, vector<32xbf16>,
      %bitcast3A = vector.bitcast %get3A_415 : vector<32xbf16> to vector<16xi32>
      %shift_left3A = arith.constant 16 : i32
      %shift_left3A_416 = vector.broadcast %shift_left3A : i32 to vector<16xi32>
      %shift_left3A_417 = arith.shli %bitcast3A, %shift_left3A_416 : vector<16xi32>
      %bitcast3A_418 = vector.bitcast %shift_left3A_417 : vector<16xi32> to vector<16xf32>
      %add3A_419 = arith.addf %broadcast_in_dim3A_409, %bitcast3A_418 : vector<16xf32>
      %and3A = arith.andi %bitcast3A, %broadcast_in_dim3A_398 : vector<16xi32>
      %bitcast3A_420 = vector.bitcast %and3A : vector<16xi32> to vector<16xf32>
      %add3A_421 = arith.addf %broadcast_in_dim3A_411, %bitcast3A_420 : vector<16xf32>
      %get3A_422 = arith.constant 1 : i32
      %get3A_423 = arith.index_cast %get3A_422 : i32 to index
      %get3A_424 = arith.index_cast %scan3A_407 : i32 to index
      %get3A_425 = arith.constant 0 : index
      %get3A_426 = tpu.vector_load %arg6[%get3A_423, %get3A_424, %get3A_425] {strides = array<i32>} : memref<16x128x64xbf16, #tpu.memory_space<vmem>>, vector<32xbf16>,
      %bitcast3A_427 = vector.bitcast %get3A_426 : vector<32xbf16> to vector<16xi32>
      %shift_left3A_428 = arith.constant 16 : i32
      %shift_left3A_429 = vector.broadcast %shift_left3A_428 : i32 to vector<16xi32>
      %shift_left3A_430 = arith.shli %bitcast3A_427, %shift_left3A_429 : vector<16xi32>
      %bitcast3A_431 = vector.bitcast %shift_left3A_430 : vector<16xi32> to vector<16xf32>
      %add3A_432 = arith.addf %add3A_419, %bitcast3A_431 : vector<16xf32>
      %and3A_433 = arith.andi %bitcast3A_427, %broadcast_in_dim3A_398 : vector<16xi32>
      %bitcast3A_434 = vector.bitcast %and3A_433 : vector<16xi32> to vector<16xf32>
      %add3A_435 = arith.addf %add3A_421, %bitcast3A_434 : vector<16xf32>
      %get3A_436 = arith.constant 2 : i32
      %get3A_437 = arith.index_cast %get3A_436 : i32 to index
      %get3A_438 = arith.index_cast %scan3A_407 : i32 to index
      %get3A_439 = arith.constant 0 : index
      %get3A_440 = tpu.vector_load %arg6[%get3A_437, %get3A_438, %get3A_439] {strides = array<i32>} : memref<16x128x64xbf16, #tpu.memory_space<vmem>>, vector<32xbf16>,
      %bitcast3A_441 = vector.bitcast %get3A_440 : vector<32xbf16> to vector<16xi32>
      %shift_left3A_442 = arith.constant 16 : i32
      %shift_left3A_443 = vector.broadcast %shift_left3A_442 : i32 to vector<16xi32>
      %shift_left3A_444 = arith.shli %bitcast3A_441, %shift_left3A_443 : vector<16xi32>
      %bitcast3A_445 = vector.bitcast %shift_left3A_444 : vector<16xi32> to vector<16xf32>
      %add3A_446 = arith.addf %add3A_432, %bitcast3A_445 : vector<16xf32>
      %and3A_447 = arith.andi %bitcast3A_441, %broadcast_in_dim3A_398 : vector<16xi32>
      %bitcast3A_448 = vector.bitcast %and3A_447 : vector<16xi32> to vector<16xf32>
      %add3A_449 = arith.addf %add3A_435, %bitcast3A_448 : vector<16xf32>
      %get3A_450 = arith.constant 3 : i32
      %get3A_451 = arith.index_cast %get3A_450 : i32 to index
      %get3A_452 = arith.index_cast %scan3A_407 : i32 to index
      %get3A_453 = arith.constant 0 : index
      %get3A_454 = tpu.vector_load %arg6[%get3A_451, %get3A_452, %get3A_453] {strides = array<i32>} : memref<16x128x64xbf16, #tpu.memory_space<vmem>>, vector<32xbf16>,
      %bitcast3A_455 = vector.bitcast %get3A_454 : vector<32xbf16> to vector<16xi32>
      %shift_left3A_456 = arith.constant 16 : i32
      %shift_left3A_457 = vector.broadcast %shift_left3A_456 : i32 to vector<16xi32>
      %shift_left3A_458 = arith.shli %bitcast3A_455, %shift_left3A_457 : vector<16xi32>
      %bitcast3A_459 = vector.bitcast %shift_left3A_458 : vector<16xi32> to vector<16xf32>
      %add3A_460 = arith.addf %add3A_446, %bitcast3A_459 : vector<16xf32>
      %and3A_461 = arith.andi %bitcast3A_455, %broadcast_in_dim3A_398 : vector<16xi32>
      %bitcast3A_462 = vector.bitcast %and3A_461 : vector<16xi32> to vector<16xf32>
      %add3A_463 = arith.addf %add3A_449, %bitcast3A_462 : vector<16xf32>
      %get3A_464 = arith.constant 4 : i32
      %get3A_465 = arith.index_cast %get3A_464 : i32 to index
      %get3A_466 = arith.index_cast %scan3A_407 : i32 to index
      %get3A_467 = arith.constant 0 : index
      %get3A_468 = tpu.vector_load %arg6[%get3A_465, %get3A_466, %get3A_467] {strides = array<i32>} : memref<16x128x64xbf16, #tpu.memory_space<vmem>>, vector<32xbf16>,
      %bitcast3A_469 = vector.bitcast %get3A_468 : vector<32xbf16> to vector<16xi32>
      %shift_left3A_470 = arith.constant 16 : i32
      %shift_left3A_471 = vector.broadcast %shift_left3A_470 : i32 to vector<16xi32>
      %shift_left3A_472 = arith.shli %bitcast3A_469, %shift_left3A_471 : vector<16xi32>
      %bitcast3A_473 = vector.bitcast %shift_left3A_472 : vector<16xi32> to vector<16xf32>
      %add3A_474 = arith.addf %add3A_460, %bitcast3A_473 : vector<16xf32>
      %and3A_475 = arith.andi %bitcast3A_469, %broadcast_in_dim3A_398 : vector<16xi32>
      %bitcast3A_476 = vector.bitcast %and3A_475 : vector<16xi32> to vector<16xf32>
      %add3A_477 = arith.addf %add3A_463, %bitcast3A_476 : vector<16xf32>
      %get3A_478 = arith.constant 5 : i32
      %get3A_479 = arith.index_cast %get3A_478 : i32 to index
      %get3A_480 = arith.index_cast %scan3A_407 : i32 to index
      %get3A_481 = arith.constant 0 : index
      %get3A_482 = tpu.vector_load %arg6[%get3A_479, %get3A_480, %get3A_481] {strides = array<i32>} : memref<16x128x64xbf16, #tpu.memory_space<vmem>>, vector<32xbf16>,
      %bitcast3A_483 = vector.bitcast %get3A_482 : vector<32xbf16> to vector<16xi32>
      %shift_left3A_484 = arith.constant 16 : i32
      %shift_left3A_485 = vector.broadcast %shift_left3A_484 : i32 to vector<16xi32>
      %shift_left3A_486 = arith.shli %bitcast3A_483, %shift_left3A_485 : vector<16xi32>
      %bitcast3A_487 = vector.bitcast %shift_left3A_486 : vector<16xi32> to vector<16xf32>
      %add3A_488 = arith.addf %add3A_474, %bitcast3A_487 : vector<16xf32>
      %and3A_489 = arith.andi %bitcast3A_483, %broadcast_in_dim3A_398 : vector<16xi32>
      %bitcast3A_490 = vector.bitcast %and3A_489 : vector<16xi32> to vector<16xf32>
      %add3A_491 = arith.addf %add3A_477, %bitcast3A_490 : vector<16xf32>
      %get3A_492 = arith.constant 6 : i32
      %get3A_493 = arith.index_cast %get3A_492 : i32 to index
      %get3A_494 = arith.index_cast %scan3A_407 : i32 to index
      %get3A_495 = arith.constant 0 : index
      %get3A_496 = tpu.vector_load %arg6[%get3A_493, %get3A_494, %get3A_495] {strides = array<i32>} : memref<16x128x64xbf16, #tpu.memory_space<vmem>>, vector<32xbf16>,
      %bitcast3A_497 = vector.bitcast %get3A_496 : vector<32xbf16> to vector<16xi32>
      %shift_left3A_498 = arith.constant 16 : i32
      %shift_left3A_499 = vector.broadcast %shift_left3A_498 : i32 to vector<16xi32>
      %shift_left3A_500 = arith.shli %bitcast3A_497, %shift_left3A_499 : vector<16xi32>
      %bitcast3A_501 = vector.bitcast %shift_left3A_500 : vector<16xi32> to vector<16xf32>
      %add3A_502 = arith.addf %add3A_488, %bitcast3A_501 : vector<16xf32>
      %and3A_503 = arith.andi %bitcast3A_497, %broadcast_in_dim3A_398 : vector<16xi32>
      %bitcast3A_504 = vector.bitcast %and3A_503 : vector<16xi32> to vector<16xf32>
      %add3A_505 = arith.addf %add3A_491, %bitcast3A_504 : vector<16xf32>
      %get3A_506 = arith.constant 7 : i32
      %get3A_507 = arith.index_cast %get3A_506 : i32 to index
      %get3A_508 = arith.index_cast %scan3A_407 : i32 to index
      %get3A_509 = arith.constant 0 : index
      %get3A_510 = tpu.vector_load %arg6[%get3A_507, %get3A_508, %get3A_509] {strides = array<i32>} : memref<16x128x64xbf16, #tpu.memory_space<vmem>>, vector<32xbf16>,
      %bitcast3A_511 = vector.bitcast %get3A_510 : vector<32xbf16> to vector<16xi32>
      %shift_left3A_512 = arith.constant 16 : i32
      %shift_left3A_513 = vector.broadcast %shift_left3A_512 : i32 to vector<16xi32>
      %shift_left3A_514 = arith.shli %bitcast3A_511, %shift_left3A_513 : vector<16xi32>
      %bitcast3A_515 = vector.bitcast %shift_left3A_514 : vector<16xi32> to vector<16xf32>
      %add3A_516 = arith.addf %add3A_502, %bitcast3A_515 : vector<16xf32>
      %and3A_517 = arith.andi %bitcast3A_511, %broadcast_in_dim3A_398 : vector<16xi32>
      %bitcast3A_518 = vector.bitcast %and3A_517 : vector<16xi32> to vector<16xf32>
      %add3A_519 = arith.addf %add3A_505, %bitcast3A_518 : vector<16xf32>
      %get3A_520 = arith.constant 8 : i32
      %get3A_521 = arith.index_cast %get3A_520 : i32 to index
      %get3A_522 = arith.index_cast %scan3A_407 : i32 to index
      %get3A_523 = arith.constant 0 : index
      %get3A_524 = tpu.vector_load %arg6[%get3A_521, %get3A_522, %get3A_523] {strides = array<i32>} : memref<16x128x64xbf16, #tpu.memory_space<vmem>>, vector<32xbf16>,
      %bitcast3A_525 = vector.bitcast %get3A_524 : vector<32xbf16> to vector<16xi32>
      %shift_left3A_526 = arith.constant 16 : i32
      %shift_left3A_527 = vector.broadcast %shift_left3A_526 : i32 to vector<16xi32>
      %shift_left3A_528 = arith.shli %bitcast3A_525, %shift_left3A_527 : vector<16xi32>
      %bitcast3A_529 = vector.bitcast %shift_left3A_528 : vector<16xi32> to vector<16xf32>
      %add3A_530 = arith.addf %add3A_516, %bitcast3A_529 : vector<16xf32>
      %and3A_531 = arith.andi %bitcast3A_525, %broadcast_in_dim3A_398 : vector<16xi32>
      %bitcast3A_532 = vector.bitcast %and3A_531 : vector<16xi32> to vector<16xf32>
      %add3A_533 = arith.addf %add3A_519, %bitcast3A_532 : vector<16xf32>
      %get3A_534 = arith.constant 9 : i32
      %get3A_535 = arith.index_cast %get3A_534 : i32 to index
      %get3A_536 = arith.index_cast %scan3A_407 : i32 to index
      %get3A_537 = arith.constant 0 : index
      %get3A_538 = tpu.vector_load %arg6[%get3A_535, %get3A_536, %get3A_537] {strides = array<i32>} : memref<16x128x64xbf16, #tpu.memory_space<vmem>>, vector<32xbf16>,
      %bitcast3A_539 = vector.bitcast %get3A_538 : vector<32xbf16> to vector<16xi32>
      %shift_left3A_540 = arith.constant 16 : i32
      %shift_left3A_541 = vector.broadcast %shift_left3A_540 : i32 to vector<16xi32>
      %shift_left3A_542 = arith.shli %bitcast3A_539, %shift_left3A_541 : vector<16xi32>
      %bitcast3A_543 = vector.bitcast %shift_left3A_542 : vector<16xi32> to vector<16xf32>
      %add3A_544 = arith.addf %add3A_530, %bitcast3A_543 : vector<16xf32>
      %and3A_545 = arith.andi %bitcast3A_539, %broadcast_in_dim3A_398 : vector<16xi32>
      %bitcast3A_546 = vector.bitcast %and3A_545 : vector<16xi32> to vector<16xf32>
      %add3A_547 = arith.addf %add3A_533, %bitcast3A_546 : vector<16xf32>
      %get3A_548 = arith.constant 10 : i32
      %get3A_549 = arith.index_cast %get3A_548 : i32 to index
      %get3A_550 = arith.index_cast %scan3A_407 : i32 to index
      %get3A_551 = arith.constant 0 : index
      %get3A_552 = tpu.vector_load %arg6[%get3A_549, %get3A_550, %get3A_551] {strides = array<i32>} : memref<16x128x64xbf16, #tpu.memory_space<vmem>>, vector<32xbf16>,
      %bitcast3A_553 = vector.bitcast %get3A_552 : vector<32xbf16> to vector<16xi32>
      %shift_left3A_554 = arith.constant 16 : i32
      %shift_left3A_555 = vector.broadcast %shift_left3A_554 : i32 to vector<16xi32>
      %shift_left3A_556 = arith.shli %bitcast3A_553, %shift_left3A_555 : vector<16xi32>
      %bitcast3A_557 = vector.bitcast %shift_left3A_556 : vector<16xi32> to vector<16xf32>
      %add3A_558 = arith.addf %add3A_544, %bitcast3A_557 : vector<16xf32>
      %and3A_559 = arith.andi %bitcast3A_553, %broadcast_in_dim3A_398 : vector<16xi32>
      %bitcast3A_560 = vector.bitcast %and3A_559 : vector<16xi32> to vector<16xf32>
      %add3A_561 = arith.addf %add3A_547, %bitcast3A_560 : vector<16xf32>
      %get3A_562 = arith.constant 11 : i32
      %get3A_563 = arith.index_cast %get3A_562 : i32 to index
      %get3A_564 = arith.index_cast %scan3A_407 : i32 to index
      %get3A_565 = arith.constant 0 : index
      %get3A_566 = tpu.vector_load %arg6[%get3A_563, %get3A_564, %get3A_565] {strides = array<i32>} : memref<16x128x64xbf16, #tpu.memory_space<vmem>>, vector<32xbf16>,
      %bitcast3A_567 = vector.bitcast %get3A_566 : vector<32xbf16> to vector<16xi32>
      %shift_left3A_568 = arith.constant 16 : i32
      %shift_left3A_569 = vector.broadcast %shift_left3A_568 : i32 to vector<16xi32>
      %shift_left3A_570 = arith.shli %bitcast3A_567, %shift_left3A_569 : vector<16xi32>
      %bitcast3A_571 = vector.bitcast %shift_left3A_570 : vector<16xi32> to vector<16xf32>
      %add3A_572 = arith.addf %add3A_558, %bitcast3A_571 : vector<16xf32>
      %and3A_573 = arith.andi %bitcast3A_567, %broadcast_in_dim3A_398 : vector<16xi32>
      %bitcast3A_574 = vector.bitcast %and3A_573 : vector<16xi32> to vector<16xf32>
      %add3A_575 = arith.addf %add3A_561, %bitcast3A_574 : vector<16xf32>
      %get3A_576 = arith.constant 12 : i32
      %get3A_577 = arith.index_cast %get3A_576 : i32 to index
      %get3A_578 = arith.index_cast %scan3A_407 : i32 to index
      %get3A_579 = arith.constant 0 : index
      %get3A_580 = tpu.vector_load %arg6[%get3A_577, %get3A_578, %get3A_579] {strides = array<i32>} : memref<16x128x64xbf16, #tpu.memory_space<vmem>>, vector<32xbf16>,
      %bitcast3A_581 = vector.bitcast %get3A_580 : vector<32xbf16> to vector<16xi32>
      %shift_left3A_582 = arith.constant 16 : i32
      %shift_left3A_583 = vector.broadcast %shift_left3A_582 : i32 to vector<16xi32>
      %shift_left3A_584 = arith.shli %bitcast3A_581, %shift_left3A_583 : vector<16xi32>
      %bitcast3A_585 = vector.bitcast %shift_left3A_584 : vector<16xi32> to vector<16xf32>
      %add3A_586 = arith.addf %add3A_572, %bitcast3A_585 : vector<16xf32>
      %and3A_587 = arith.andi %bitcast3A_581, %broadcast_in_dim3A_398 : vector<16xi32>
      %bitcast3A_588 = vector.bitcast %and3A_587 : vector<16xi32> to vector<16xf32>
      %add3A_589 = arith.addf %add3A_575, %bitcast3A_588 : vector<16xf32>
      %get3A_590 = arith.constant 13 : i32
      %get3A_591 = arith.index_cast %get3A_590 : i32 to index
      %get3A_592 = arith.index_cast %scan3A_407 : i32 to index
      %get3A_593 = arith.constant 0 : index
      %get3A_594 = tpu.vector_load %arg6[%get3A_591, %get3A_592, %get3A_593] {strides = array<i32>} : memref<16x128x64xbf16, #tpu.memory_space<vmem>>, vector<32xbf16>,
      %bitcast3A_595 = vector.bitcast %get3A_594 : vector<32xbf16> to vector<16xi32>
      %shift_left3A_596 = arith.constant 16 : i32
      %shift_left3A_597 = vector.broadcast %shift_left3A_596 : i32 to vector<16xi32>
      %shift_left3A_598 = arith.shli %bitcast3A_595, %shift_left3A_597 : vector<16xi32>
      %bitcast3A_599 = vector.bitcast %shift_left3A_598 : vector<16xi32> to vector<16xf32>
      %add3A_600 = arith.addf %add3A_586, %bitcast3A_599 : vector<16xf32>
      %and3A_601 = arith.andi %bitcast3A_595, %broadcast_in_dim3A_398 : vector<16xi32>
      %bitcast3A_602 = vector.bitcast %and3A_601 : vector<16xi32> to vector<16xf32>
      %add3A_603 = arith.addf %add3A_589, %bitcast3A_602 : vector<16xf32>
      %get3A_604 = arith.constant 14 : i32
      %get3A_605 = arith.index_cast %get3A_604 : i32 to index
      %get3A_606 = arith.index_cast %scan3A_407 : i32 to index
      %get3A_607 = arith.constant 0 : index
      %get3A_608 = tpu.vector_load %arg6[%get3A_605, %get3A_606, %get3A_607] {strides = array<i32>} : memref<16x128x64xbf16, #tpu.memory_space<vmem>>, vector<32xbf16>,
      %bitcast3A_609 = vector.bitcast %get3A_608 : vector<32xbf16> to vector<16xi32>
      %shift_left3A_610 = arith.constant 16 : i32
      %shift_left3A_611 = vector.broadcast %shift_left3A_610 : i32 to vector<16xi32>
      %shift_left3A_612 = arith.shli %bitcast3A_609, %shift_left3A_611 : vector<16xi32>
      %bitcast3A_613 = vector.bitcast %shift_left3A_612 : vector<16xi32> to vector<16xf32>
      %add3A_614 = arith.addf %add3A_600, %bitcast3A_613 : vector<16xf32>
      %and3A_615 = arith.andi %bitcast3A_609, %broadcast_in_dim3A_398 : vector<16xi32>
      %bitcast3A_616 = vector.bitcast %and3A_615 : vector<16xi32> to vector<16xf32>
      %add3A_617 = arith.addf %add3A_603, %bitcast3A_616 : vector<16xf32>
      %get3A_618 = arith.constant 15 : i32
      %get3A_619 = arith.index_cast %get3A_618 : i32 to index
      %get3A_620 = arith.index_cast %scan3A_407 : i32 to index
      %get3A_621 = arith.constant 0 : index
      %get3A_622 = tpu.vector_load %arg6[%get3A_619, %get3A_620, %get3A_621] {strides = array<i32>} : memref<16x128x64xbf16, #tpu.memory_space<vmem>>, vector<32xbf16>,
      %bitcast3A_623 = vector.bitcast %get3A_622 : vector<32xbf16> to vector<16xi32>
      %shift_left3A_624 = arith.constant 16 : i32
      %shift_left3A_625 = vector.broadcast %shift_left3A_624 : i32 to vector<16xi32>
      %shift_left3A_626 = arith.shli %bitcast3A_623, %shift_left3A_625 : vector<16xi32>
      %bitcast3A_627 = vector.bitcast %shift_left3A_626 : vector<16xi32> to vector<16xf32>
      %add3A_628 = arith.addf %add3A_614, %bitcast3A_627 : vector<16xf32>
      %and3A_629 = arith.andi %bitcast3A_623, %broadcast_in_dim3A_398 : vector<16xi32>
      %bitcast3A_630 = vector.bitcast %and3A_629 : vector<16xi32> to vector<16xf32>
      %add3A_631 = arith.addf %add3A_617, %bitcast3A_630 : vector<16xf32>
      %mul3A_632 = arith.constant 2 : i32
      %mul3A_633 = vector.broadcast %mul3A_632 : i32 to vector<16xi32>
      %mul3A_634 = arith.muli %mul3A_633, %iota3A : vector<16xi32>
      %add3A_635 = arith.constant 0 : i32
      %add3A_636 = vector.broadcast %add3A_635 : i32 to vector<16xi32>
      %add3A_637 = arith.addi %add3A_636, %mul3A_634 : vector<16xi32>
      %mul3A_638 = arith.constant 64 : i32
      %mul3A_639 = arith.muli %scan3A_407, %mul3A_638 : i32
      %add3A_640 = vector.broadcast %mul3A_639 : i32 to vector<16xi32>
      %add3A_641 = arith.addi %add3A_640, %add3A_637 : vector<16xi32>
      %mul3A_642 = arith.mulf %add3A_628, %broadcast_in_dim3A_396 : vector<16xf32>
      tpu.vector_store_idx %arg7[%add3A_641], %mul3A_642 : memref<8192xf32, #tpu.memory_space<vmem>>[vector<16xi32>], vector<16xf32>,
      %add3A_643 = arith.constant 1 : i32
      %add3A_644 = vector.broadcast %add3A_643 : i32 to vector<16xi32>
      %add3A_645 = arith.addi %add3A_641, %add3A_644 : vector<16xi32>
      %mul3A_646 = arith.mulf %add3A_631, %broadcast_in_dim3A_396 : vector<16xf32>
      tpu.vector_store_idx %arg7[%add3A_645], %mul3A_646 : memref<8192xf32, #tpu.memory_space<vmem>>[vector<16xi32>], vector<16xf32>,
      %broadcast_in_dim3A_647 = arith.constant 0.000000e+00 : f32
      %broadcast_in_dim3A_648 = vector.broadcast %broadcast_in_dim3A_647 : f32 to vector<16xf32>
      %broadcast_in_dim3A_649 = arith.constant 0.000000e+00 : f32
      %broadcast_in_dim3A_650 = vector.broadcast %broadcast_in_dim3A_649 : f32 to vector<16xf32>
      %get3A_651 = arith.constant 0 : i32
      %get3A_652 = arith.index_cast %get3A_651 : i32 to index
      %get3A_653 = arith.index_cast %scan3A_407 : i32 to index
      %get3A_654 = arith.constant 32 : index
      %get3A_655 = tpu.vector_load %arg6[%get3A_652, %get3A_653, %get3A_654] {strides = array<i32>} : memref<16x128x64xbf16, #tpu.memory_space<vmem>>, vector<32xbf16>,
      %bitcast3A_656 = vector.bitcast %get3A_655 : vector<32xbf16> to vector<16xi32>
      %shift_left3A_657 = arith.constant 16 : i32
      %shift_left3A_658 = vector.broadcast %shift_left3A_657 : i32 to vector<16xi32>
      %shift_left3A_659 = arith.shli %bitcast3A_656, %shift_left3A_658 : vector<16xi32>
      %bitcast3A_660 = vector.bitcast %shift_left3A_659 : vector<16xi32> to vector<16xf32>
      %add3A_661 = arith.addf %broadcast_in_dim3A_648, %bitcast3A_660 : vector<16xf32>
      %and3A_662 = arith.andi %bitcast3A_656, %broadcast_in_dim3A_398 : vector<16xi32>
      %bitcast3A_663 = vector.bitcast %and3A_662 : vector<16xi32> to vector<16xf32>
      %add3A_664 = arith.addf %broadcast_in_dim3A_650, %bitcast3A_663 : vector<16xf32>
      %get3A_665 = arith.constant 1 : i32
      %get3A_666 = arith.index_cast %get3A_665 : i32 to index
      %get3A_667 = arith.index_cast %scan3A_407 : i32 to index
      %get3A_668 = arith.constant 32 : index
      %get3A_669 = tpu.vector_load %arg6[%get3A_666, %get3A_667, %get3A_668] {strides = array<i32>} : memref<16x128x64xbf16, #tpu.memory_space<vmem>>, vector<32xbf16>,
      %bitcast3A_670 = vector.bitcast %get3A_669 : vector<32xbf16> to vector<16xi32>
      %shift_left3A_671 = arith.constant 16 : i32
      %shift_left3A_672 = vector.broadcast %shift_left3A_671 : i32 to vector<16xi32>
      %shift_left3A_673 = arith.shli %bitcast3A_670, %shift_left3A_672 : vector<16xi32>
      %bitcast3A_674 = vector.bitcast %shift_left3A_673 : vector<16xi32> to vector<16xf32>
      %add3A_675 = arith.addf %add3A_661, %bitcast3A_674 : vector<16xf32>
      %and3A_676 = arith.andi %bitcast3A_670, %broadcast_in_dim3A_398 : vector<16xi32>
      %bitcast3A_677 = vector.bitcast %and3A_676 : vector<16xi32> to vector<16xf32>
      %add3A_678 = arith.addf %add3A_664, %bitcast3A_677 : vector<16xf32>
      %get3A_679 = arith.constant 2 : i32
      %get3A_680 = arith.index_cast %get3A_679 : i32 to index
      %get3A_681 = arith.index_cast %scan3A_407 : i32 to index
      %get3A_682 = arith.constant 32 : index
      %get3A_683 = tpu.vector_load %arg6[%get3A_680, %get3A_681, %get3A_682] {strides = array<i32>} : memref<16x128x64xbf16, #tpu.memory_space<vmem>>, vector<32xbf16>,
      %bitcast3A_684 = vector.bitcast %get3A_683 : vector<32xbf16> to vector<16xi32>
      %shift_left3A_685 = arith.constant 16 : i32
      %shift_left3A_686 = vector.broadcast %shift_left3A_685 : i32 to vector<16xi32>
      %shift_left3A_687 = arith.shli %bitcast3A_684, %shift_left3A_686 : vector<16xi32>
      %bitcast3A_688 = vector.bitcast %shift_left3A_687 : vector<16xi32> to vector<16xf32>
      %add3A_689 = arith.addf %add3A_675, %bitcast3A_688 : vector<16xf32>
      %and3A_690 = arith.andi %bitcast3A_684, %broadcast_in_dim3A_398 : vector<16xi32>
      %bitcast3A_691 = vector.bitcast %and3A_690 : vector<16xi32> to vector<16xf32>
      %add3A_692 = arith.addf %add3A_678, %bitcast3A_691 : vector<16xf32>
      %get3A_693 = arith.constant 3 : i32
      %get3A_694 = arith.index_cast %get3A_693 : i32 to index
      %get3A_695 = arith.index_cast %scan3A_407 : i32 to index
      %get3A_696 = arith.constant 32 : index
      %get3A_697 = tpu.vector_load %arg6[%get3A_694, %get3A_695, %get3A_696] {strides = array<i32>} : memref<16x128x64xbf16, #tpu.memory_space<vmem>>, vector<32xbf16>,
      %bitcast3A_698 = vector.bitcast %get3A_697 : vector<32xbf16> to vector<16xi32>
      %shift_left3A_699 = arith.constant 16 : i32
      %shift_left3A_700 = vector.broadcast %shift_left3A_699 : i32 to vector<16xi32>
      %shift_left3A_701 = arith.shli %bitcast3A_698, %shift_left3A_700 : vector<16xi32>
      %bitcast3A_702 = vector.bitcast %shift_left3A_701 : vector<16xi32> to vector<16xf32>
      %add3A_703 = arith.addf %add3A_689, %bitcast3A_702 : vector<16xf32>
      %and3A_704 = arith.andi %bitcast3A_698, %broadcast_in_dim3A_398 : vector<16xi32>
      %bitcast3A_705 = vector.bitcast %and3A_704 : vector<16xi32> to vector<16xf32>
      %add3A_706 = arith.addf %add3A_692, %bitcast3A_705 : vector<16xf32>
      %get3A_707 = arith.constant 4 : i32
      %get3A_708 = arith.index_cast %get3A_707 : i32 to index
      %get3A_709 = arith.index_cast %scan3A_407 : i32 to index
      %get3A_710 = arith.constant 32 : index
      %get3A_711 = tpu.vector_load %arg6[%get3A_708, %get3A_709, %get3A_710] {strides = array<i32>} : memref<16x128x64xbf16, #tpu.memory_space<vmem>>, vector<32xbf16>,
      %bitcast3A_712 = vector.bitcast %get3A_711 : vector<32xbf16> to vector<16xi32>
      %shift_left3A_713 = arith.constant 16 : i32
      %shift_left3A_714 = vector.broadcast %shift_left3A_713 : i32 to vector<16xi32>
      %shift_left3A_715 = arith.shli %bitcast3A_712, %shift_left3A_714 : vector<16xi32>
      %bitcast3A_716 = vector.bitcast %shift_left3A_715 : vector<16xi32> to vector<16xf32>
      %add3A_717 = arith.addf %add3A_703, %bitcast3A_716 : vector<16xf32>
      %and3A_718 = arith.andi %bitcast3A_712, %broadcast_in_dim3A_398 : vector<16xi32>
      %bitcast3A_719 = vector.bitcast %and3A_718 : vector<16xi32> to vector<16xf32>
      %add3A_720 = arith.addf %add3A_706, %bitcast3A_719 : vector<16xf32>
      %get3A_721 = arith.constant 5 : i32
      %get3A_722 = arith.index_cast %get3A_721 : i32 to index
      %get3A_723 = arith.index_cast %scan3A_407 : i32 to index
      %get3A_724 = arith.constant 32 : index
      %get3A_725 = tpu.vector_load %arg6[%get3A_722, %get3A_723, %get3A_724] {strides = array<i32>} : memref<16x128x64xbf16, #tpu.memory_space<vmem>>, vector<32xbf16>,
      %bitcast3A_726 = vector.bitcast %get3A_725 : vector<32xbf16> to vector<16xi32>
      %shift_left3A_727 = arith.constant 16 : i32
      %shift_left3A_728 = vector.broadcast %shift_left3A_727 : i32 to vector<16xi32>
      %shift_left3A_729 = arith.shli %bitcast3A_726, %shift_left3A_728 : vector<16xi32>
      %bitcast3A_730 = vector.bitcast %shift_left3A_729 : vector<16xi32> to vector<16xf32>
      %add3A_731 = arith.addf %add3A_717, %bitcast3A_730 : vector<16xf32>
      %and3A_732 = arith.andi %bitcast3A_726, %broadcast_in_dim3A_398 : vector<16xi32>
      %bitcast3A_733 = vector.bitcast %and3A_732 : vector<16xi32> to vector<16xf32>
      %add3A_734 = arith.addf %add3A_720, %bitcast3A_733 : vector<16xf32>
      %get3A_735 = arith.constant 6 : i32
      %get3A_736 = arith.index_cast %get3A_735 : i32 to index
      %get3A_737 = arith.index_cast %scan3A_407 : i32 to index
      %get3A_738 = arith.constant 32 : index
      %get3A_739 = tpu.vector_load %arg6[%get3A_736, %get3A_737, %get3A_738] {strides = array<i32>} : memref<16x128x64xbf16, #tpu.memory_space<vmem>>, vector<32xbf16>,
      %bitcast3A_740 = vector.bitcast %get3A_739 : vector<32xbf16> to vector<16xi32>
      %shift_left3A_741 = arith.constant 16 : i32
      %shift_left3A_742 = vector.broadcast %shift_left3A_741 : i32 to vector<16xi32>
      %shift_left3A_743 = arith.shli %bitcast3A_740, %shift_left3A_742 : vector<16xi32>
      %bitcast3A_744 = vector.bitcast %shift_left3A_743 : vector<16xi32> to vector<16xf32>
      %add3A_745 = arith.addf %add3A_731, %bitcast3A_744 : vector<16xf32>
      %and3A_746 = arith.andi %bitcast3A_740, %broadcast_in_dim3A_398 : vector<16xi32>
      %bitcast3A_747 = vector.bitcast %and3A_746 : vector<16xi32> to vector<16xf32>
      %add3A_748 = arith.addf %add3A_734, %bitcast3A_747 : vector<16xf32>
      %get3A_749 = arith.constant 7 : i32
      %get3A_750 = arith.index_cast %get3A_749 : i32 to index
      %get3A_751 = arith.index_cast %scan3A_407 : i32 to index
      %get3A_752 = arith.constant 32 : index
      %get3A_753 = tpu.vector_load %arg6[%get3A_750, %get3A_751, %get3A_752] {strides = array<i32>} : memref<16x128x64xbf16, #tpu.memory_space<vmem>>, vector<32xbf16>,
      %bitcast3A_754 = vector.bitcast %get3A_753 : vector<32xbf16> to vector<16xi32>
      %shift_left3A_755 = arith.constant 16 : i32
      %shift_left3A_756 = vector.broadcast %shift_left3A_755 : i32 to vector<16xi32>
      %shift_left3A_757 = arith.shli %bitcast3A_754, %shift_left3A_756 : vector<16xi32>
      %bitcast3A_758 = vector.bitcast %shift_left3A_757 : vector<16xi32> to vector<16xf32>
      %add3A_759 = arith.addf %add3A_745, %bitcast3A_758 : vector<16xf32>
      %and3A_760 = arith.andi %bitcast3A_754, %broadcast_in_dim3A_398 : vector<16xi32>
      %bitcast3A_761 = vector.bitcast %and3A_760 : vector<16xi32> to vector<16xf32>
      %add3A_762 = arith.addf %add3A_748, %bitcast3A_761 : vector<16xf32>
      %get3A_763 = arith.constant 8 : i32
      %get3A_764 = arith.index_cast %get3A_763 : i32 to index
      %get3A_765 = arith.index_cast %scan3A_407 : i32 to index
      %get3A_766 = arith.constant 32 : index
      %get3A_767 = tpu.vector_load %arg6[%get3A_764, %get3A_765, %get3A_766] {strides = array<i32>} : memref<16x128x64xbf16, #tpu.memory_space<vmem>>, vector<32xbf16>,
      %bitcast3A_768 = vector.bitcast %get3A_767 : vector<32xbf16> to vector<16xi32>
      %shift_left3A_769 = arith.constant 16 : i32
      %shift_left3A_770 = vector.broadcast %shift_left3A_769 : i32 to vector<16xi32>
      %shift_left3A_771 = arith.shli %bitcast3A_768, %shift_left3A_770 : vector<16xi32>
      %bitcast3A_772 = vector.bitcast %shift_left3A_771 : vector<16xi32> to vector<16xf32>
      %add3A_773 = arith.addf %add3A_759, %bitcast3A_772 : vector<16xf32>
      %and3A_774 = arith.andi %bitcast3A_768, %broadcast_in_dim3A_398 : vector<16xi32>
      %bitcast3A_775 = vector.bitcast %and3A_774 : vector<16xi32> to vector<16xf32>
      %add3A_776 = arith.addf %add3A_762, %bitcast3A_775 : vector<16xf32>
      %get3A_777 = arith.constant 9 : i32
      %get3A_778 = arith.index_cast %get3A_777 : i32 to index
      %get3A_779 = arith.index_cast %scan3A_407 : i32 to index
      %get3A_780 = arith.constant 32 : index
      %get3A_781 = tpu.vector_load %arg6[%get3A_778, %get3A_779, %get3A_780] {strides = array<i32>} : memref<16x128x64xbf16, #tpu.memory_space<vmem>>, vector<32xbf16>,
      %bitcast3A_782 = vector.bitcast %get3A_781 : vector<32xbf16> to vector<16xi32>
      %shift_left3A_783 = arith.constant 16 : i32
      %shift_left3A_784 = vector.broadcast %shift_left3A_783 : i32 to vector<16xi32>
      %shift_left3A_785 = arith.shli %bitcast3A_782, %shift_left3A_784 : vector<16xi32>
      %bitcast3A_786 = vector.bitcast %shift_left3A_785 : vector<16xi32> to vector<16xf32>
      %add3A_787 = arith.addf %add3A_773, %bitcast3A_786 : vector<16xf32>
      %and3A_788 = arith.andi %bitcast3A_782, %broadcast_in_dim3A_398 : vector<16xi32>
      %bitcast3A_789 = vector.bitcast %and3A_788 : vector<16xi32> to vector<16xf32>
      %add3A_790 = arith.addf %add3A_776, %bitcast3A_789 : vector<16xf32>
      %get3A_791 = arith.constant 10 : i32
      %get3A_792 = arith.index_cast %get3A_791 : i32 to index
      %get3A_793 = arith.index_cast %scan3A_407 : i32 to index
      %get3A_794 = arith.constant 32 : index
      %get3A_795 = tpu.vector_load %arg6[%get3A_792, %get3A_793, %get3A_794] {strides = array<i32>} : memref<16x128x64xbf16, #tpu.memory_space<vmem>>, vector<32xbf16>,
      %bitcast3A_796 = vector.bitcast %get3A_795 : vector<32xbf16> to vector<16xi32>
      %shift_left3A_797 = arith.constant 16 : i32
      %shift_left3A_798 = vector.broadcast %shift_left3A_797 : i32 to vector<16xi32>
      %shift_left3A_799 = arith.shli %bitcast3A_796, %shift_left3A_798 : vector<16xi32>
      %bitcast3A_800 = vector.bitcast %shift_left3A_799 : vector<16xi32> to vector<16xf32>
      %add3A_801 = arith.addf %add3A_787, %bitcast3A_800 : vector<16xf32>
      %and3A_802 = arith.andi %bitcast3A_796, %broadcast_in_dim3A_398 : vector<16xi32>
      %bitcast3A_803 = vector.bitcast %and3A_802 : vector<16xi32> to vector<16xf32>
      %add3A_804 = arith.addf %add3A_790, %bitcast3A_803 : vector<16xf32>
      %get3A_805 = arith.constant 11 : i32
      %get3A_806 = arith.index_cast %get3A_805 : i32 to index
      %get3A_807 = arith.index_cast %scan3A_407 : i32 to index
      %get3A_808 = arith.constant 32 : index
      %get3A_809 = tpu.vector_load %arg6[%get3A_806, %get3A_807, %get3A_808] {strides = array<i32>} : memref<16x128x64xbf16, #tpu.memory_space<vmem>>, vector<32xbf16>,
      %bitcast3A_810 = vector.bitcast %get3A_809 : vector<32xbf16> to vector<16xi32>
      %shift_left3A_811 = arith.constant 16 : i32
      %shift_left3A_812 = vector.broadcast %shift_left3A_811 : i32 to vector<16xi32>
      %shift_left3A_813 = arith.shli %bitcast3A_810, %shift_left3A_812 : vector<16xi32>
      %bitcast3A_814 = vector.bitcast %shift_left3A_813 : vector<16xi32> to vector<16xf32>
      %add3A_815 = arith.addf %add3A_801, %bitcast3A_814 : vector<16xf32>
      %and3A_816 = arith.andi %bitcast3A_810, %broadcast_in_dim3A_398 : vector<16xi32>
      %bitcast3A_817 = vector.bitcast %and3A_816 : vector<16xi32> to vector<16xf32>
      %add3A_818 = arith.addf %add3A_804, %bitcast3A_817 : vector<16xf32>
      %get3A_819 = arith.constant 12 : i32
      %get3A_820 = arith.index_cast %get3A_819 : i32 to index
      %get3A_821 = arith.index_cast %scan3A_407 : i32 to index
      %get3A_822 = arith.constant 32 : index
      %get3A_823 = tpu.vector_load %arg6[%get3A_820, %get3A_821, %get3A_822] {strides = array<i32>} : memref<16x128x64xbf16, #tpu.memory_space<vmem>>, vector<32xbf16>,
      %bitcast3A_824 = vector.bitcast %get3A_823 : vector<32xbf16> to vector<16xi32>
      %shift_left3A_825 = arith.constant 16 : i32
      %shift_left3A_826 = vector.broadcast %shift_left3A_825 : i32 to vector<16xi32>
      %shift_left3A_827 = arith.shli %bitcast3A_824, %shift_left3A_826 : vector<16xi32>
      %bitcast3A_828 = vector.bitcast %shift_left3A_827 : vector<16xi32> to vector<16xf32>
      %add3A_829 = arith.addf %add3A_815, %bitcast3A_828 : vector<16xf32>
      %and3A_830 = arith.andi %bitcast3A_824, %broadcast_in_dim3A_398 : vector<16xi32>
      %bitcast3A_831 = vector.bitcast %and3A_830 : vector<16xi32> to vector<16xf32>
      %add3A_832 = arith.addf %add3A_818, %bitcast3A_831 : vector<16xf32>
      %get3A_833 = arith.constant 13 : i32
      %get3A_834 = arith.index_cast %get3A_833 : i32 to index
      %get3A_835 = arith.index_cast %scan3A_407 : i32 to index
      %get3A_836 = arith.constant 32 : index
      %get3A_837 = tpu.vector_load %arg6[%get3A_834, %get3A_835, %get3A_836] {strides = array<i32>} : memref<16x128x64xbf16, #tpu.memory_space<vmem>>, vector<32xbf16>,
      %bitcast3A_838 = vector.bitcast %get3A_837 : vector<32xbf16> to vector<16xi32>
      %shift_left3A_839 = arith.constant 16 : i32
      %shift_left3A_840 = vector.broadcast %shift_left3A_839 : i32 to vector<16xi32>
      %shift_left3A_841 = arith.shli %bitcast3A_838, %shift_left3A_840 : vector<16xi32>
      %bitcast3A_842 = vector.bitcast %shift_left3A_841 : vector<16xi32> to vector<16xf32>
      %add3A_843 = arith.addf %add3A_829, %bitcast3A_842 : vector<16xf32>
      %and3A_844 = arith.andi %bitcast3A_838, %broadcast_in_dim3A_398 : vector<16xi32>
      %bitcast3A_845 = vector.bitcast %and3A_844 : vector<16xi32> to vector<16xf32>
      %add3A_846 = arith.addf %add3A_832, %bitcast3A_845 : vector<16xf32>
      %get3A_847 = arith.constant 14 : i32
      %get3A_848 = arith.index_cast %get3A_847 : i32 to index
      %get3A_849 = arith.index_cast %scan3A_407 : i32 to index
      %get3A_850 = arith.constant 32 : index
      %get3A_851 = tpu.vector_load %arg6[%get3A_848, %get3A_849, %get3A_850] {strides = array<i32>} : memref<16x128x64xbf16, #tpu.memory_space<vmem>>, vector<32xbf16>,
      %bitcast3A_852 = vector.bitcast %get3A_851 : vector<32xbf16> to vector<16xi32>
      %shift_left3A_853 = arith.constant 16 : i32
      %shift_left3A_854 = vector.broadcast %shift_left3A_853 : i32 to vector<16xi32>
      %shift_left3A_855 = arith.shli %bitcast3A_852, %shift_left3A_854 : vector<16xi32>
      %bitcast3A_856 = vector.bitcast %shift_left3A_855 : vector<16xi32> to vector<16xf32>
      %add3A_857 = arith.addf %add3A_843, %bitcast3A_856 : vector<16xf32>
      %and3A_858 = arith.andi %bitcast3A_852, %broadcast_in_dim3A_398 : vector<16xi32>
      %bitcast3A_859 = vector.bitcast %and3A_858 : vector<16xi32> to vector<16xf32>
      %add3A_860 = arith.addf %add3A_846, %bitcast3A_859 : vector<16xf32>
      %get3A_861 = arith.constant 15 : i32
      %get3A_862 = arith.index_cast %get3A_861 : i32 to index
      %get3A_863 = arith.index_cast %scan3A_407 : i32 to index
      %get3A_864 = arith.constant 32 : index
      %get3A_865 = tpu.vector_load %arg6[%get3A_862, %get3A_863, %get3A_864] {strides = array<i32>} : memref<16x128x64xbf16, #tpu.memory_space<vmem>>, vector<32xbf16>,
      %bitcast3A_866 = vector.bitcast %get3A_865 : vector<32xbf16> to vector<16xi32>
      %shift_left3A_867 = arith.constant 16 : i32
      %shift_left3A_868 = vector.broadcast %shift_left3A_867 : i32 to vector<16xi32>
      %shift_left3A_869 = arith.shli %bitcast3A_866, %shift_left3A_868 : vector<16xi32>
      %bitcast3A_870 = vector.bitcast %shift_left3A_869 : vector<16xi32> to vector<16xf32>
      %add3A_871 = arith.addf %add3A_857, %bitcast3A_870 : vector<16xf32>
      %and3A_872 = arith.andi %bitcast3A_866, %broadcast_in_dim3A_398 : vector<16xi32>
      %bitcast3A_873 = vector.bitcast %and3A_872 : vector<16xi32> to vector<16xf32>
      %add3A_874 = arith.addf %add3A_860, %bitcast3A_873 : vector<16xf32>
      %mul3A_875 = arith.constant 2 : i32
      %mul3A_876 = vector.broadcast %mul3A_875 : i32 to vector<16xi32>
      %mul3A_877 = arith.muli %mul3A_876, %iota3A : vector<16xi32>
      %add3A_878 = arith.constant 32 : i32
      %add3A_879 = vector.broadcast %add3A_878 : i32 to vector<16xi32>
      %add3A_880 = arith.addi %add3A_879, %mul3A_877 : vector<16xi32>
      %mul3A_881 = arith.constant 64 : i32
      %mul3A_882 = arith.muli %scan3A_407, %mul3A_881 : i32
      %add3A_883 = vector.broadcast %mul3A_882 : i32 to vector<16xi32>
      %add3A_884 = arith.addi %add3A_883, %add3A_880 : vector<16xi32>
      %mul3A_885 = arith.mulf %add3A_871, %broadcast_in_dim3A_396 : vector<16xf32>
      tpu.vector_store_idx %arg7[%add3A_884], %mul3A_885 : memref<8192xf32, #tpu.memory_space<vmem>>[vector<16xi32>], vector<16xf32>,
      %add3A_886 = arith.constant 1 : i32
      %add3A_887 = vector.broadcast %add3A_886 : i32 to vector<16xi32>
      %add3A_888 = arith.addi %add3A_884, %add3A_887 : vector<16xi32>
      %mul3A_889 = arith.mulf %add3A_874, %broadcast_in_dim3A_396 : vector<16xf32>
      tpu.vector_store_idx %arg7[%add3A_888], %mul3A_889 : memref<8192xf32, #tpu.memory_space<vmem>>[vector<16xi32>], vector<16xf32>,
    }
    %scan3A_404 = arith.constant 128 : i32
    %mul3A_405 = arith.constant 64 : i32
    %mul3A_406 = arith.muli %mul3A_2, %mul3A_405 : i32
    "tpu.region"() ({
      %run_scoped3A = tpu.sem_alloc : memref<!tpu.dma_semaphore, #tpu.memory_space<semaphore_mem>>
      %dma_start3A_407 = tpu.memref_slice %arg4[%mul3A_406] : memref<262144xf32, #tpu.memory_space<hbm>> -> memref<8192xf32, #tpu.memory_space<hbm>>
      %dma_start3A_408 = tpu.memref_slice %arg4[%mul3A_406] : memref<262144xf32, #tpu.memory_space<hbm>> -> memref<8192xf32, #tpu.memory_space<hbm>>
      tpu.enqueue_dma source(%arg7 : memref<8192xf32, #tpu.memory_space<vmem>>) target(%dma_start3A_408 : memref<8192xf32, #tpu.memory_space<hbm>>) target_semaphore(%run_scoped3A : memref<!tpu.dma_semaphore, #tpu.memory_space<semaphore_mem>>)
      %dma_wait3A_409 = tpu.memref_slice %arg4[%mul3A_406] : memref<262144xf32, #tpu.memory_space<hbm>> -> memref<8192xf32, #tpu.memory_space<hbm>>
      %dma_wait3A_410 = tpu.memref_slice %arg4[%mul3A_406] : memref<262144xf32, #tpu.memory_space<hbm>> -> memref<8192xf32, #tpu.memory_space<hbm>>
      tpu.wait_dma2 semaphore(%run_scoped3A : memref<!tpu.dma_semaphore, #tpu.memory_space<semaphore_mem>>) src(%arg7 : memref<8192xf32, #tpu.memory_space<vmem>>) dst(%dma_wait3A_410 : memref<8192xf32, #tpu.memory_space<hbm>>)
      tpu.yield
    }) : () -> ()
    return
  }
}

module attributes {stable_mosaic.version = 14 : i64} {
  func.func @_route_kernel(%arg0: i32, %arg1: memref<512x128xf32, #tpu.memory_space<vmem>>, %arg2: memref<1600x128xf32, #tpu.memory_space<vmem>>, %arg3: memref<1x1600xf32, #tpu.memory_space<vmem>>, %arg4: memref<1600x100xf32, #tpu.memory_space<vmem>>, %arg5: memref<4x100x128xi32, #tpu.memory_space<vmem>>) attributes {dimension_semantics = [#tpu.dimension_semantics<arbitrary>], iteration_bounds = array<i64: 8>, scalar_prefetch = 0 : i64, scratch_operands = 0 : i64, tpu.core_type = #tpu.core_type<tc>, window_params = [{transform_indices = @transform_0, window_bounds = array<i64: 512, 128>}, {pipeline_mode = #tpu.pipeline_mode<synchronous>, transform_indices = @transform_1, window_bounds = array<i64: 1600, 128>}, {pipeline_mode = #tpu.pipeline_mode<synchronous>, transform_indices = @transform_2, window_bounds = array<i64: 1, 1600>}, {pipeline_mode = #tpu.pipeline_mode<synchronous>, transform_indices = @transform_3, window_bounds = array<i64: 1600, 100>}, {transform_indices = @transform_4, window_bounds = array<i64: 4, 100, 128>}]} {
    %get3A = arith.constant 0 : index
    %get3A_0 = arith.constant 0 : index
    %get3A_1 = vector.load %arg1[%get3A, %get3A_0] : memref<512x128xf32, #tpu.memory_space<vmem>>, vector<512x128xf32>
    %get3A_2 = arith.constant 0 : index
    %get3A_3 = arith.constant 0 : index
    %get3A_4 = vector.load %arg2[%get3A_2, %get3A_3] : memref<1600x128xf32, #tpu.memory_space<vmem>>, vector<1600x128xf32>
    %convert_element_type3A = arith.truncf %get3A_1 : vector<512x128xf32> to vector<512x128xbf16>
    %convert_element_type3A_5 = arith.truncf %get3A_4 : vector<1600x128xf32> to vector<1600x128xbf16>
    %convert_element_type3A_6 = arith.extf %convert_element_type3A : vector<512x128xbf16> to vector<512x128xf32>
    %sub3A = arith.subf %get3A_1, %convert_element_type3A_6 : vector<512x128xf32>
    %convert_element_type3A_7 = arith.truncf %sub3A : vector<512x128xf32> to vector<512x128xbf16>
    %convert_element_type3A_8 = arith.extf %convert_element_type3A_5 : vector<1600x128xbf16> to vector<1600x128xf32>
    %sub3A_9 = arith.subf %get3A_4, %convert_element_type3A_8 : vector<1600x128xf32>
    %convert_element_type3A_10 = arith.truncf %sub3A_9 : vector<1600x128xf32> to vector<1600x128xbf16>
    %dot_general3A = arith.constant dense<0.000000e+00> : vector<512x1600xf32>
    %dot_general3A_11 = tpu.matmul %convert_element_type3A, %convert_element_type3A_5, %dot_general3A {dimension_numbers = #tpu.dot_dimension_numbers<[1], [1], [0], [0], [0, 0, 1, 0], [], []>, transpose_lhs_hint = false} : vector<512x128xbf16>, vector<1600x128xbf16>, vector<512x1600xf32> -> vector<512x1600xf32>
    %dot_general3A_12 = arith.constant dense<0.000000e+00> : vector<512x1600xf32>
    %dot_general3A_13 = tpu.matmul %convert_element_type3A, %convert_element_type3A_10, %dot_general3A_12 {dimension_numbers = #tpu.dot_dimension_numbers<[1], [1], [0], [0], [0, 0, 1, 0], [], []>, transpose_lhs_hint = false} : vector<512x128xbf16>, vector<1600x128xbf16>, vector<512x1600xf32> -> vector<512x1600xf32>
    %dot_general3A_14 = arith.constant dense<0.000000e+00> : vector<512x1600xf32>
    %dot_general3A_15 = tpu.matmul %convert_element_type3A_7, %convert_element_type3A_5, %dot_general3A_14 {dimension_numbers = #tpu.dot_dimension_numbers<[1], [1], [0], [0], [0, 0, 1, 0], [], []>, transpose_lhs_hint = false} : vector<512x128xbf16>, vector<1600x128xbf16>, vector<512x1600xf32> -> vector<512x1600xf32>
    %add3A = arith.addf %dot_general3A_13, %dot_general3A_15 : vector<512x1600xf32>
    %add3A_16 = arith.addf %dot_general3A_11, %add3A : vector<512x1600xf32>
    %get3A_17 = arith.constant 0 : index
    %get3A_18 = arith.constant 0 : index
    %get3A_19 = vector.load %arg3[%get3A_17, %get3A_18] : memref<1x1600xf32, #tpu.memory_space<vmem>>, vector<1x1600xf32>
    %add3A_20 = vector.broadcast %get3A_19 : vector<1x1600xf32> to vector<512x1600xf32>
    %add3A_21 = arith.addf %add3A_16, %add3A_20 : vector<512x1600xf32>
    %le3A = arith.constant 0.000000e+00 : f32
    %le3A_22 = vector.broadcast %le3A : f32 to vector<512x1600xf32>
    %le3A_23 = arith.cmpf ole, %add3A_21, %le3A_22 : vector<512x1600xf32>
    %jit3A = arith.constant 1.000000e+00 : f32
    %jit3A_24 = arith.constant 0.000000e+00 : f32
    %broadcast_in_dim3A = vector.broadcast %jit3A : f32 to vector<512x1600xf32>
    %broadcast_in_dim3A_25 = vector.broadcast %jit3A_24 : f32 to vector<512x1600xf32>
    %select_n3A = arith.select %le3A_23, %broadcast_in_dim3A, %broadcast_in_dim3A_25 : vector<512x1600xi1>, vector<512x1600xf32>
    %get3A_26 = arith.constant 0 : index
    %get3A_27 = arith.constant 0 : index
    %get3A_28 = vector.load %arg4[%get3A_26, %get3A_27] : memref<1600x100xf32, #tpu.memory_space<vmem>>, vector<1600x100xf32>
    %dot_general3A_29 = arith.constant dense<0.000000e+00> : vector<512x100xf32>
    %dot_general3A_30 = tpu.matmul %select_n3A, %get3A_28, %dot_general3A_29 {dimension_numbers = #tpu.dot_dimension_numbers<[1], [0], [0], [1], [0, 0, 1, 1], [], []>, transpose_lhs_hint = false} : vector<512x1600xf32>, vector<1600x100xf32>, vector<512x100xf32> -> vector<512x100xf32>
    %convert_element_type3A_31 = arith.fptosi %dot_general3A_30 : vector<512x100xf32> to vector<512x100xi32>
    %transpose3A = tpu.transpose %convert_element_type3A_31, [1, 0] : vector<512x100xi32> -> vector<100x512xi32>
    %broadcast_in_dim3A_32 = arith.constant 0 : i32
    %broadcast_in_dim3A_33 = vector.broadcast %broadcast_in_dim3A_32 : i32 to vector<100x512xi32>
    %shift_right_logical3A = arith.shrui %transpose3A, %broadcast_in_dim3A_33 : vector<100x512xi32>
    %and3A = arith.constant 1 : i32
    %and3A_34 = vector.broadcast %and3A : i32 to vector<100x512xi32>
    %and3A_35 = arith.andi %shift_right_logical3A, %and3A_34 : vector<100x512xi32>
    %add3A_36 = arith.addi %broadcast_in_dim3A_33, %broadcast_in_dim3A_33 : vector<100x512xi32>
    %add3A_37 = arith.addi %add3A_36, %and3A_35 : vector<100x512xi32>
    %shift_right_logical3A_38 = arith.shrui %transpose3A, %add3A_37 : vector<100x512xi32>
    %and3A_39 = arith.constant 1 : i32
    %and3A_40 = vector.broadcast %and3A_39 : i32 to vector<100x512xi32>
    %and3A_41 = arith.andi %shift_right_logical3A_38, %and3A_40 : vector<100x512xi32>
    %add3A_42 = arith.addi %add3A_37, %add3A_37 : vector<100x512xi32>
    %add3A_43 = arith.addi %add3A_42, %and3A_41 : vector<100x512xi32>
    %shift_right_logical3A_44 = arith.shrui %transpose3A, %add3A_43 : vector<100x512xi32>
    %and3A_45 = arith.constant 1 : i32
    %and3A_46 = vector.broadcast %and3A_45 : i32 to vector<100x512xi32>
    %and3A_47 = arith.andi %shift_right_logical3A_44, %and3A_46 : vector<100x512xi32>
    %add3A_48 = arith.addi %add3A_43, %add3A_43 : vector<100x512xi32>
    %add3A_49 = arith.addi %add3A_48, %and3A_47 : vector<100x512xi32>
    %shift_right_logical3A_50 = arith.shrui %transpose3A, %add3A_49 : vector<100x512xi32>
    %and3A_51 = arith.constant 1 : i32
    %and3A_52 = vector.broadcast %and3A_51 : i32 to vector<100x512xi32>
    %and3A_53 = arith.andi %shift_right_logical3A_50, %and3A_52 : vector<100x512xi32>
    %add3A_54 = arith.addi %add3A_49, %add3A_49 : vector<100x512xi32>
    %add3A_55 = arith.addi %add3A_54, %and3A_53 : vector<100x512xi32>
    %shift_right_logical3A_56 = arith.shrui %transpose3A, %add3A_55 : vector<100x512xi32>
    %and3A_57 = arith.constant 1 : i32
    %and3A_58 = vector.broadcast %and3A_57 : i32 to vector<100x512xi32>
    %and3A_59 = arith.andi %shift_right_logical3A_56, %and3A_58 : vector<100x512xi32>
    %add3A_60 = arith.addi %add3A_55, %add3A_55 : vector<100x512xi32>
    %add3A_61 = arith.addi %add3A_60, %and3A_59 : vector<100x512xi32>
    %iota3A = tpu.iota {dimensions = array<i32: 0>} : vector<100x512xi32>
    %mul3A = arith.constant 32 : i32
    %mul3A_62 = vector.broadcast %mul3A : i32 to vector<100x512xi32>
    %mul3A_63 = arith.muli %iota3A, %mul3A_62 : vector<100x512xi32>
    %add3A_64 = arith.addi %add3A_61, %mul3A_63 : vector<100x512xi32>
    %reshape3A = vector.shape_cast %add3A_64 : vector<100x512xi32> to vector<100x4x128xi32>
    %transpose3A_65 = tpu.transpose %reshape3A, [1, 0, 2] : vector<100x4x128xi32> -> vector<4x100x128xi32>
    %swap3A = arith.constant 0 : index
    %swap3A_66 = arith.constant 0 : index
    %swap3A_67 = arith.constant 0 : index
    %swap3A_68 = vector.load %arg5[%swap3A, %swap3A_66, %swap3A_67] : memref<4x100x128xi32, #tpu.memory_space<vmem>>, vector<4x100x128xi32>
    tpu.vector_store %arg5[%swap3A, %swap3A_66, %swap3A_67], %transpose3A_65 {strides = array<i32>} : memref<4x100x128xi32, #tpu.memory_space<vmem>>, vector<4x100x128xi32>,
    return
  }
  func.func @transform_0(%arg0: i32) -> (i32, i32) {
    %c0_i32 = arith.constant 0 : i32
    %c0_i32_0 = arith.constant 0 : i32
    return %arg0, %c0_i32 : i32, i32
  }
  func.func @transform_1(%arg0: i32) -> (i32, i32) {
    %c0_i32 = arith.constant 0 : i32
    %c0_i32_0 = arith.constant 0 : i32
    %c0_i32_1 = arith.constant 0 : i32
    return %c0_i32, %c0_i32_0 : i32, i32
  }
  func.func @transform_2(%arg0: i32) -> (i32, i32) {
    %c0_i32 = arith.constant 0 : i32
    %c0_i32_0 = arith.constant 0 : i32
    %c0_i32_1 = arith.constant 0 : i32
    return %c0_i32, %c0_i32_0 : i32, i32
  }
  func.func @transform_3(%arg0: i32) -> (i32, i32) {
    %c0_i32 = arith.constant 0 : i32
    %c0_i32_0 = arith.constant 0 : i32
    %c0_i32_1 = arith.constant 0 : i32
    return %c0_i32, %c0_i32_0 : i32, i32
  }
  func.func @transform_4(%arg0: i32) -> (i32, i32, i32) {
    %c0_i32 = arith.constant 0 : i32
    %c0_i32_0 = arith.constant 0 : i32
    %c0_i32_1 = arith.constant 0 : i32
    return %arg0, %c0_i32, %c0_i32_0 : i32, i32, i32
  }
}

</mosaic_0001>

<sc_bundles>
// kernel: kernel.4.cloned.1.call-start
scs
__scs_entry_jumppad:
0x0: {  	(pc) =	sbr.rel $0x88, $3  }
0x1: {  	(tag) =	ssettag $0x0;
	lr =	simm.s32 $0x1  }
0x2: {  	[smem:$0x3F9D] =	sst lr;
	_ =	strace $0xD0000000  }
0x3: {  	_ = 	snop  }
0x4: {  	_ = 	snop  }
0x5: {  	_ = 	snop  }
0x6: {  	_ = 	snop  }
0x7: {  	_ = 	snop  }
__scs_overlays_trampoline_lowered:
0x8: {  	[smem:$0x3FAC] =	sst s0  }
0x9: {  	[smem:$0x3FAD] =	sst s1  }
0xa: {  	[smem:$0x3FAE] =	sst s2  }
0xb: {  	[smem:$0x3FAF] =	sst s3  }
0xc: {  	[smem:$0x3FB0] =	sst s4  }
0xd: {  	[smem:$0x3FB1] =	sst s5  }
0xe: {  	[smem:$0x3FB2] =	sst s6  }
0xf: {  	[smem:$0x3FB3] =	sst s7  }
0x10: {  	[smem:$0x3FB4] =	sst s8  }
0x11: {  	[smem:$0x3FB5] =	sst s9;
	s0 =	simm.s32 @!p0 $0x0  }
0x12: {  	s1 =	sld [smem:$0x3F9B];
	s0 =	simm.s32 @p0 $0x1  }
0x13: {  	[smem:$0x3FB6] =	sst s0;
	s0 =	simm.s32 @!p1 $0x0  }
0x14: {  	s2 =	sld [smem:$0x3F9A];
	s0 =	simm.s32 @p1 $0x1  }
0x15: {  	[smem:$0x3FB7] =	sst s0;
	s0 =	simm.s32 @!p2 $0x0  }
0x16: {  	s3 =	sld [smem:$0x3FDB];
	s0 =	simm.s32 @p2 $0x1  }
0x17: {  	s4 =	simm.s32 $0x1BF5;
	[smem:$0x3FB9] =	sst s0  }
0x18: {  	s0 =	sld [smem:$0x3F9C];
	_ =	swait.ge [sflag:s4], $0x0  }
0x19: {  	s7 =	sld [smem:$0x3F9D]  }
0x1a: {  	s8 =	sadd.s32 $0xFFFFE003, lr  }
0x1b: {  	s9 =	sadd.s32 $0xFFFFFEF7, lr;
	s5 =	simm.s32 $0xFFFFFFFF;
	p2 =	slt.u32 s8, $0xFFFFF086  }
0x1c: {  	p1 =	slt.u32 s9, $0xF7A;
	s5 =	simm.s32 @!p2 $0x0  }
0x1d: {  	s5 =	simm.s32 @p1 $0x1;
	p0 =	seq.s32 s7, s2  }
0x1e: {  	s7 =	smul.u32 @!p0 $0xF7A, s2;
	p2 =	seq.s32 @!p0 s5, $0x0  }
0x1f: {  	s9 =	smul.u32 $0xF7A, s1;
	s8 =	simm.s32 @!p0 $0x1BF5;
	p2 =	por !p2, p0  }
0x20: {  	[sflag:s8] =	ssyncset.s32 @!p0 $0xFFFFF086;
	s6 =	sadd.s32 @!p0 s3, s7;
	s7 =	simm.s32 @!p0 $0x108  }
0x21: {  	s3 =	sadd.s32 s3, s9;
	s6 =	sadd.s32 @!p0 $0x88, s6;
	s7 =	simm.s32 @p2 $0x1082  }
0x22: {  	[simem:s7], [sflag:s8] =	dma.local @!p0 [hbm:s6], $0xF7A  }
0x23: {  	s9 =	sor.u32 $0xD0000000, s2;
	s6 =	simm.s32 $0x108;
	_ =	swait.ge @!p0 [sflag:s8], $0x0  }
0x24: {  	s3 =	sadd.s32 $0x88, s3;
	s6 =	simm.s32 @!p1 $0x1082;
	[sflag:s4] =	ssyncset.s32 $0xFFFFF086  }
0x25: {  	[simem:s6], [sflag:s4] =	dma.local [hbm:s3], $0xF7A  }
0x26: {  	[smem:$0x3F9D] =	sst s1;
	(tag) =	ssettag s2;
	_ =	strace s9  }
0x27: {  	s1 =	sld [smem:$0x3FAD]  }
0x28: {  	s2 =	sld [smem:$0x3FAE]  }
0x29: {  	s4 =	sld [smem:$0x3FB0]  }
0x2a: {  	p0 =	seq.s32 s5, $0x0;
	s5 =	sld [smem:$0x3FB1]  }
0x2b: {  	s6 =	sld [smem:$0x3FB2]  }
0x2c: {  	s7 =	sld [smem:$0x3FB3]  }
0x2d: {  	s3 =	simm.s32 $0x108;
	s8 =	sld [smem:$0x3FB4]  }
0x2e: {  	s3 =	simm.s32 @!p0 $0x1082;
	s9 =	sld [smem:$0x3FB5]  }
0x2f: {  	lr =	sadd.s32 s0, s3;
	s0 =	sld [smem:$0x3FAC]  }
0x30: {  	s3 =	sld [smem:$0x3FAF]  }
0x31: {  	[smem:$0x3FB8] =	sst s10  }
0x32: {  	s10 =	sld [smem:$0x3FB6];
	_ =	sdelay $0x3  }
0x33: {  	p0 =	seq.s32 s10, $0x1;
	s10 =	sld [smem:$0x3FB8];
	_ =	sdelay $0x3  }
0x34: {  	[smem:$0x3FB8] =	sst s10  }
0x35: {  	s10 =	sld [smem:$0x3FB7];
	_ =	sdelay $0x3  }
0x36: {  	p1 =	seq.s32 s10, $0x1;
	s10 =	sld [smem:$0x3FB8];
	_ =	sdelay $0x3  }
0x37: {  	[smem:$0x3FB8] =	sst s10  }
0x38: {  	s10 =	sld [smem:$0x3FB9]  }
0x39: {  	_ = 	snop;
	(pc) =	sbr.ind lr, $3  }
0x3a: {  	_ = 	snop  }
0x3b: {  	_ = 	snop  }
0x3c: {  	p2 =	seq.s32 s10, $0x1;
	s10 =	sld [smem:$0x3FB8]  }
0x3d: {  	_ =	shalt  }
0x3e: {  	_ =	shalt  }
0x3f: {  	_ =	shalt  }
0x40: {  	_ =	shalt  }
0x41: {  	_ =	shalt  }
0x42: {  	_ =	shalt  }
0x43: {  	_ =	shalt  }
0x44: {  	_ =	shalt  }
0x45: {  	_ =	shalt  }
0x46: {  	_ =	shalt  }
0x47: {  	_ =	shalt  }
0x48: {  	_ =	shalt  }
0x49: {  	_ =	shalt  }
0x4a: {  	_ =	shalt  }
0x4b: {  	_ =	shalt  }
0x4c: {  	_ =	shalt  }
0x4d: {  	_ =	shalt  }
0x4e: {  	_ =	shalt  }
0x4f: {  	_ =	shalt  }
0x50: {  	_ =	shalt  }
0x51: {  	_ =	shalt  }
0x52: {  	_ =	shalt  }
0x53: {  	_ =	shalt  }
0x54: {  	_ =	shalt  }
0x55: {  	_ =	shalt  }
0x56: {  	_ =	shalt  }
0x57: {  	_ =	shalt  }
0x58: {  	_ =	shalt  }
0x59: {  	_ =	shalt  }
0x5a: {  	_ =	shalt  }
0x5b: {  	_ =	shalt  }
0x5c: {  	_ =	shalt  }
0x5d: {  	_ =	shalt  }
0x5e: {  	_ =	shalt  }
0x5f: {  	_ =	shalt  }
0x60: {  	_ =	shalt  }
0x61: {  	_ =	shalt  }
0x62: {  	_ =	shalt  }
0x63: {  	_ =	shalt  }
0x64: {  	_ =	shalt  }
0x65: {  	_ =	shalt  }
0x66: {  	_ =	shalt  }
0x67: {  	_ =	shalt  }
0x68: {  	_ =	shalt  }
0x69: {  	_ =	shalt  }
0x6a: {  	_ =	shalt  }
0x6b: {  	_ =	shalt  }
0x6c: {  	_ =	shalt  }
0x6d: {  	_ =	shalt  }
0x6e: {  	_ =	shalt  }
0x6f: {  	_ =	shalt  }
0x70: {  	_ =	shalt  }
0x71: {  	_ =	shalt  }
0x72: {  	_ =	shalt  }
0x73: {  	_ =	shalt  }
0x74: {  	_ =	shalt  }
0x75: {  	_ =	shalt  }
0x76: {  	_ =	shalt  }
0x77: {  	_ =	shalt  }
0x78: {  	_ =	shalt  }
0x79: {  	_ =	shalt  }
0x7a: {  	_ =	shalt  }
0x7b: {  	_ =	shalt  }
0x7c: {  	_ =	shalt  }
0x7d: {  	_ =	shalt  }
0x7e: {  	_ =	shalt  }
0x7f: {  	_ =	shalt  }
0x80: {  	_ =	shalt  }
0x81: {  	_ =	shalt  }
0x82: {  	_ =	shalt  }
0x83: {  	_ =	shalt  }
0x84: {  	_ =	shalt  }
0x85: {  	_ =	shalt  }
0x86: {  	_ =	shalt  }
0x87: {  	_ =	shalt  }
.Lfunc_end0:
.L_simem_size_0:
called_computation_lowered:
.L_overlay_start_0:
0x88: {  	s2 =	sld [smem:$0x3FD9]  }
0x89: {  	s3 =	sld [smem:$0x3FFE];
	_ =	sdelay $0x1  }
0x8a: {  	s1 =	srdreg.scid  }
0x8b: {  	s0 =	sand.u32 $0x1, s1  }
0x8c: {  	s17 =	sshll.u32 s0, $0xA;
	s2 =	sadd.s32 s3, s2  }
0x8d: {  	s2 =	sadd.s32 s2, s17  }
0x8e: {  	[smem:$0x3FC4] =	sst s2  }
0x8f: {  	_ = 	snop  }
0x90: {  	s2 =	sld [smem:$0x3FD0];
	(tm) =	ssettm $0x1  }
0x91: {  	s18 =	sld [smem:$0x3FFB];
	_ =	sdelay $0x3  }
0x92: {  	_ =	strace s18  }
0x93: {  	s3 =	sld [smem:$0x3FFC];
	_ =	sdelay $0x3  }
0x94: {  	_ =	strace s3  }
0x95: {  	s3 =	sld [smem:$0x3FFD];
	_ =	sdelay $0x3  }
0x96: {  	_ =	strace s3  }
0x97: {  	_ =	strace $0x8FFFFFFF  }
0x98: {  	s19 =	sld [smem:$0x3FDB];
	_ =	sdelay $0x1  }
0x99: {  	s4 =	simm.s32 $_scs_section_size  }
0x9a: {  	s5 =	simm.s32 $_size__tile_overlayer_lowered;
	s6 =	simm.s32 $_tile_overlayer_lowered  }
0x9b: {  	s22 =	simm.s32 $0x1BFF;
	s21 =	sshll.u32 s6, $0x1;
	s3 =	sadd.s32 s4, s19  }
0x9c: {  	s7 =	simm.s32 $0x0;
	s20 =	sshll.u32 s5, $0x1;
	s5 =	sadd.s32 s21, s3  }
0x9d: {  	[timem:s7], [sflag:s22] =	dma.local [hbm:s5], s20  }
0x9e: {  	_ =	swait.ge [sflag:s22], s20  }
0x9f: {  	s4 =	ssub.s32 $0x0, s20;
	[sflag:s22] =	ssyncset.done $0x0  }
0xa0: {  	[sflag:s22] =	ssyncadd.s32 s4;
	_ =	sdelay $0x1  }
0xa1: {  	s23 =	simm.s32 $0x1B8B  }
0xa2: {  	_ =	swait.ge [sflag:s23], $0x1  }
0xa3: {  	[sflag:s23] =	ssyncset.done $0x0  }
0xa4: {  	s25 =	simm.s32 $0x1B8E;
	s24 =	sld [smem:$0x3FFE];
	[sflag:s23] =	ssyncadd.s32 $0xFFFFFFFF  }
0xa5: {  	s26 =	simm.s32 $execute0_lowered;
	[smem:$0x3FD2] =	sst s25  }
0xa6: {  	s5 =	sshll.u32 s26, $0x1;
	_ =	strace $0x80000046;
	[dreg:$0x1] =	wrdreg $0xFFFFFFFF  }
0xa7: {  	s28 =	simm.s32 $_size_execute0_lowered;
	s3 =	sadd.s32 s3, s5;
	[dreg:$0x0] =	wrdreg $0x0  }
0xa8: {  	s5 =	sshll.u32 s28, $0x1;
	[dreg:$0x2] =	wrdreg s3  }
0xa9: {  	[dreg:$0x3] =	wrdreg s5  }
0xaa: {  	[dreg:$0x4] =	wrdreg $0xC0  }
0xab: {  	_ =	task [dreg:s7], $0x5FFFF  }
0xac: {  	[dreg:$0x1] =	wrdreg $0xFFFFFFFF  }
0xad: {  	[dreg:$0x0] =	wrdreg $0x60  }
0xae: {  	[dreg:$0x2] =	wrdreg s24  }
0xaf: {  	[dreg:$0x3] =	wrdreg s2  }
0xb0: {  	[dreg:$0x4] =	wrdreg $0x9  }
0xb1: {  	_ =	task.clear_ibuf [dreg:s7], $0x5FFFF;
	_ =	strace $0x90000046  }
0xb2: {  	s29 =	simm.s32 $0x9;
	_ =	strace $0x80000048  }
0xb3: {  	_ =	swait.ge [sflag:s29], $0x1  }
0xb4: {  	[sflag:s29] =	ssyncadd.s32 $0xFFFFFFFF  }
0xb5: {  	_ =	strace $0x90000048  }
0xb6: {  	_ =	sfence  }
0xb7: {  	s30 =	sld [smem:$0x0];
	_ =	sdelay $0x2  }
0xb8: {  	s31 =	sshll.u32 s1, $0xD;
	s1 =	sshrl.u32 s1, $0x2  }
0xb9: {  	s3 =	sand.u32 $0x4000, s31;
	s1 =	sadd.s32 s1, s30  }
0xba: {  	s0 =	sor.u32 s3, s0;
	s1 =	sshll.u32 s1, $0x11  }
0xbb: {  	s0 =	sor.u32 s1, s0  }
0xbc: {  	s0 =	sadd.s32 $0x8F2B, s0  }
0xbd: {  	[sflag:s0] =	ssyncadd.remote.s32 $0x1  }
0xbe: {  	_ =	sfence.sel $0xFFFF  }
0xbf: {  	[dreg:$0x0] =	wrdreg $0xFFFFFFFF;
	(pc) =	sbr.abs _section_cstart, $3  }
0xc0: {  	[dreg:$0x1] =	wrdreg $0xFFFFFFFF  }
0xc1: {  	_ =	task.clear_ibuf [dreg:s7], $0x2FFFF;
	_ =	strace $0x9FFFFFFF  }
0xc2: {  	(tm) =	ssettm $0x7FFFFFFF  }
0xc3: {  	_ =	shalt  }
tec
execute0_lowered:
.L_overlay_start_1:
0x0: {  	(tag) =	ssettag $0x1  }
0x1: {  	s0 =	srdreg.scid;
	s1 =	rddreg [dreg:$0x0]  }
0x2: {  	s2 =	stileid.u32;
	s5 =	rddreg [dreg:$0x1];
	s8 =	simm.s32 $0x80  }
0x3: {  	s23 =	simm.s32 $0x400;
	s24 =	simm.s32 $0xB200;
	s25 =	simm.s32 $0x480  }
0x4: {  	s28 =	simm.s32 $0x500;
	s29 =	simm.s32 $0xD200;
	s30 =	simm.s32 $0x580  }
0x5: {  	s31 =	simm.s32 $0xE200;
	s9 =	simm.s32 $0x680;
	s10 =	simm.s32 $0x10200  }
0x6: {  	s11 =	simm.s32 $0x700;
	s12 =	simm.s32 $0x11200;
	s13 =	simm.s32 $0x780  }
0x7: {  	s14 =	simm.s32 $0x12200;
	s15 =	simm.s32 $0x1;
	s16 =	simm.s32 $0x13200  }
0x8: {  	s17 =	simm.s32 $0x0;
	s0 =	sand.u32 $0x1, s0;
	s2 =	sshll.u32 s2, $0x1  }
0x9: {  	s4 =	sor.u32 s0, s2;
	s2 =	simm.s32 $0x0;
	s0 =	ssub.s32 $0x2, s0  }
0xa: {  	v0 =	vlaneseq.u32;
	s3 =	smul.u32 $0x640, s4;
	[smem:$0x7FF] =	sst s2;
	s26 =	sshrl.u32 s0, $0x1  }
0xb: {  	v1 =	vand.u32 $0x3, v0;
	v0 =	vmul.u32 $0x2, v0;
	s7 =	sshll.u32 s4, $0xA;
	_ =	strace $0x80000047;
	s0 =	ssub.s32 s0, s26  }
0xc: {  	v4 =	vmul.u32 $0x2, v1;
	s5 =	sadd.s32 s5, s7;
	s7 =	simm.s32 $0x2;
	s26 =	simm.s32 $0xC200  }
0xd: {  	v2 =	vor.u32 $0x1, v0;
	v3 =	vor.u32 $0x20, v0;
	s6 =	sadd.s32 s3, s1;
	s3 =	sadd.s32 $0xD200, s1;
	s1 =	simm.s32 $0x600  }
0xe: {  	v5 =	vor.u32 $0x21, v0;
	v1 =	vor.u32 $0xFFFFFFD8, v4;
	v4 =	vor.u32 $0xFFFFFFF8, v4;
	s4 =	sadd.s32 $0xA00, s6;
	s6 =	smax.u32 s0, $0x1;
	s0 =	simm.s32 $0xF200  }
.LBB2_1:
0xf: {  	[tilespmem:s2], [sflag:$0x2] =	stream.linear.gather [hbm4b:s4+s2], $0x3200, $0x38;
	[tilespmem:$0x15200] =	vst v63  }
0x10: {  	_ =	swait.ge [sflag:s7], $0x3200  }
0x11: {  	[sflag:s7] =	ssyncset.done $0x0  }
0x12: {  	s18 =	simm.s32 $0x3200;
	[sflag:s7] =	ssyncadd.s32 $0xFFFFCE00  }
0x13: {  	[tilespmem:s18], [sflag:$0x1] =	stream.indirect.gather [hbm4b:s3+s8], $0x20, s2, s8, $0xb8;
	[tilespmem:$0x15200] =	vst v63  }
0x14: {  	s21 =	simm.s32 $0x4200  }
0x15: {  	[tilespmem:s21], [sflag:$0x1] =	stream.indirect.gather [hbm4b:s3+s8], $0x20, s8, s8, $0xb8;
	[tilespmem:$0x15200] =	vst v63  }
0x16: {  	s22 =	simm.s32 $0x100;
	s19 =	simm.s32 $0x5200  }
0x17: {  	[tilespmem:s19], [sflag:$0x1] =	stream.indirect.gather [hbm4b:s3+s8], $0x20, s22, s8, $0xb8;
	[tilespmem:$0x15200] =	vst v63  }
0x18: {  	s20 =	simm.s32 $0x6200;
	s19 =	simm.s32 $0x180  }
0x19: {  	[tilespmem:s20], [sflag:$0x1] =	stream.indirect.gather [hbm4b:s3+s8], $0x20, s19, s8, $0xb8;
	[tilespmem:$0x15200] =	vst v63  }
0x1a: {  	s21 =	simm.s32 $0x200;
	s22 =	simm.s32 $0x7200  }
0x1b: {  	[tilespmem:s22], [sflag:$0x1] =	stream.indirect.gather [hbm4b:s3+s8], $0x20, s21, s8, $0xb8;
	[tilespmem:$0x15200] =	vst v63  }
0x1c: {  	s19 =	simm.s32 $0x280;
	s20 =	simm.s32 $0x8200  }
0x1d: {  	[tilespmem:s20], [sflag:$0x1] =	stream.indirect.gather [hbm4b:s3+s8], $0x20, s19, s8, $0xb8;
	[tilespmem:$0x15200] =	vst v63  }
0x1e: {  	s21 =	simm.s32 $0x300;
	s22 =	simm.s32 $0x9200  }
0x1f: {  	[tilespmem:s22], [sflag:$0x1] =	stream.indirect.gather [hbm4b:s3+s8], $0x20, s21, s8, $0xb8;
	[tilespmem:$0x15200] =	vst v63  }
0x20: {  	s19 =	simm.s32 $0x380;
	s20 =	simm.s32 $0xA200  }
0x21: {  	[tilespmem:s20], [sflag:$0x1] =	stream.indirect.gather [hbm4b:s3+s8], $0x20, s19, s8, $0xb8;
	[tilespmem:$0x15200] =	vst v63  }
0x22: {  	_ = 	snop  }
0x23: {  	[tilespmem:s24], [sflag:$0x1] =	stream.indirect.gather [hbm4b:s3+s8], $0x20, s23, s8, $0xb8;
	[tilespmem:$0x15200] =	vst v63  }
0x24: {  	_ = 	snop  }
0x25: {  	[tilespmem:s26], [sflag:$0x1] =	stream.indirect.gather [hbm4b:s3+s8], $0x20, s25, s8, $0xb8;
	[tilespmem:$0x15200] =	vst v63  }
0x26: {  	_ = 	snop  }
0x27: {  	[tilespmem:s29], [sflag:$0x1] =	stream.indirect.gather [hbm4b:s3+s8], $0x20, s28, s8, $0xb8;
	[tilespmem:$0x15200] =	vst v63  }
0x28: {  	_ = 	snop  }
0x29: {  	[tilespmem:s31], [sflag:$0x1] =	stream.indirect.gather [hbm4b:s3+s8], $0x20, s30, s8, $0xb8;
	[tilespmem:$0x15200] =	vst v63  }
0x2a: {  	_ = 	snop  }
0x2b: {  	[tilespmem:s0], [sflag:$0x1] =	stream.indirect.gather [hbm4b:s3+s8], $0x20, s1, s8, $0xb8;
	[tilespmem:$0x15200] =	vst v63  }
0x2c: {  	_ = 	snop  }
0x2d: {  	[tilespmem:s10], [sflag:$0x1] =	stream.indirect.gather [hbm4b:s3+s8], $0x20, s9, s8, $0xb8;
	[tilespmem:$0x15200] =	vst v63  }
0x2e: {  	_ = 	snop  }
0x2f: {  	[tilespmem:s12], [sflag:$0x1] =	stream.indirect.gather [hbm4b:s3+s8], $0x20, s11, s8, $0xb8;
	[tilespmem:$0x15200] =	vst v63  }
0x30: {  	_ = 	snop  }
0x31: {  	[tilespmem:s14], [sflag:$0x1] =	stream.indirect.gather [hbm4b:s3+s8], $0x20, s13, s8, $0xb8;
	[tilespmem:$0x15200] =	vst v63  }
0x32: {  	_ =	swait.ge [sflag:s15], $0x1000  }
0x33: {  	[sflag:s15] =	ssyncset.done $0x0  }
0x34: {  	[sflag:s15] =	ssyncadd.s32 $0xFFFFF000  }
0x35: {  	_ =	swait.ge [sflag:s15], $0x1000  }
0x36: {  	[sflag:s15] =	ssyncset.done $0x0  }
0x37: {  	[sflag:s15] =	ssyncadd.s32 $0xFFFFF000  }
0x38: {  	_ =	swait.ge [sflag:s15], $0x1000  }
0x39: {  	[sflag:s15] =	ssyncset.done $0x0  }
0x3a: {  	[sflag:s15] =	ssyncadd.s32 $0xFFFFF000  }
0x3b: {  	_ =	swait.ge [sflag:s15], $0x1000  }
0x3c: {  	[sflag:s15] =	ssyncset.done $0x0  }
0x3d: {  	[sflag:s15] =	ssyncadd.s32 $0xFFFFF000  }
0x3e: {  	_ =	swait.ge [sflag:s15], $0x1000  }
0x3f: {  	[sflag:s15] =	ssyncset.done $0x0  }
0x40: {  	[sflag:s15] =	ssyncadd.s32 $0xFFFFF000  }
0x41: {  	_ =	swait.ge [sflag:s15], $0x1000  }
0x42: {  	[sflag:s15] =	ssyncset.done $0x0  }
0x43: {  	[sflag:s15] =	ssyncadd.s32 $0xFFFFF000  }
0x44: {  	_ =	swait.ge [sflag:s15], $0x1000  }
0x45: {  	[sflag:s15] =	ssyncset.done $0x0  }
0x46: {  	[sflag:s15] =	ssyncadd.s32 $0xFFFFF000  }
0x47: {  	_ =	swait.ge [sflag:s15], $0x1000  }
0x48: {  	[sflag:s15] =	ssyncset.done $0x0  }
0x49: {  	[sflag:s15] =	ssyncadd.s32 $0xFFFFF000  }
0x4a: {  	_ =	swait.ge [sflag:s15], $0x1000  }
0x4b: {  	[sflag:s15] =	ssyncset.done $0x0  }
0x4c: {  	[sflag:s15] =	ssyncadd.s32 $0xFFFFF000  }
0x4d: {  	_ =	swait.ge [sflag:s15], $0x1000  }
0x4e: {  	[sflag:s15] =	ssyncset.done $0x0  }
0x4f: {  	[sflag:s15] =	ssyncadd.s32 $0xFFFFF000  }
0x50: {  	_ =	swait.ge [sflag:s15], $0x1000  }
0x51: {  	[sflag:s15] =	ssyncset.done $0x0  }
0x52: {  	[sflag:s15] =	ssyncadd.s32 $0xFFFFF000  }
0x53: {  	_ =	swait.ge [sflag:s15], $0x1000  }
0x54: {  	[sflag:s15] =	ssyncset.done $0x0  }
0x55: {  	[sflag:s15] =	ssyncadd.s32 $0xFFFFF000  }
0x56: {  	_ =	swait.ge [sflag:s15], $0x1000  }
0x57: {  	[sflag:s15] =	ssyncset.done $0x0  }
0x58: {  	[sflag:s15] =	ssyncadd.s32 $0xFFFFF000  }
0x59: {  	_ =	swait.ge [sflag:s15], $0x1000  }
0x5a: {  	[sflag:s15] =	ssyncset.done $0x0  }
0x5b: {  	[sflag:s15] =	ssyncadd.s32 $0xFFFFF000  }
0x5c: {  	_ =	swait.ge [sflag:s15], $0x1000  }
0x5d: {  	[sflag:s15] =	ssyncset.done $0x0  }
0x5e: {  	s21 =	simm.s32 $0x40000;
	[sflag:s15] =	ssyncadd.s32 $0xFFFFF000  }
0x5f: {  	s18 =	sand.u32 $0x3C000, s21;
	_ =	swait.ge [sflag:s15], $0x1000  }
0x60: {  	s22 =	sshrl.u32 s18, $0x2;
	[sflag:s15] =	ssyncset.done $0x0  }
0x61: {  	s18 =	simm.s32 $0x800;
	s19 =	sadd.s32 $0x3200, s22;
	[sflag:s15] =	ssyncadd.s32 $0xFFFFF000  }
0x62: {  	[tilespmem:s19], [sflag:$0x1] =	stream.indirect.gather.add.bf16 [hbm:s3], $0x20, s18, s8, $0xb8;
	[tilespmem:$0x15200] =	vst v63  }
0x63: {  	s19 =	simm.s32 $0x44000  }
.LBB2_2:
0x64: {  	p0 =	sne.s32 s19, $0x18C000  }
.Ltmp0:
0x65: {  	_ = 	snop;
	(pc) =	sbr.rel @p0 .LBB2_2-.Ltmp0, $4  }
0x66: {  	s20 =	sand.u32 $0x3C000, s19  }
0x67: {  	s20 =	sshrl.u32 s20, $0x2  }
0x68: {  	s19 =	sadd.s32 $0x4000, s19;
	s18 =	sadd.s32 $0x80, s18;
	s20 =	sadd.s32 $0x3200, s20  }
0x69: {  	[tilespmem:s20], [sflag:$0x1] =	stream.indirect.gather.add.bf16 [hbm:s3], $0x20, s18, s8, $0xb8;
	[tilespmem:$0x15200] =	vst v63  }
0x6a: {  	s18 =	simm.s32 $0x54  }
.LBB2_4:
0x6b: {  	p0 =	sne.s32 s18, $0x1  }
.Ltmp1:
0x6c: {  	_ = 	snop;
	(pc) =	sbr.rel @p0 .LBB2_4-.Ltmp1, $4  }
0x6d: {  	_ = 	snop  }
0x6e: {  	_ =	swait.ge [sflag:s15], $0x1000  }
0x6f: {  	[sflag:s15] =	ssyncset.done $0x0  }
0x70: {  	s18 =	sadd.s32 $0xFFFFFFFF, s18;
	[sflag:s15] =	ssyncadd.s32 $0xFFFFF000  }
0x71: {  	s19 =	simm.s32 $0x0  }
0x72: {  	v6 =	vld [tilespmem:s19+$0x3200];
	_ =	sdelay $0x1  }
0x73: {  	v7 =	vld [tilespmem:s19+$0x4200];
	_ =	sdelay $0x1  }
0x74: {  	v8 =	vld [tilespmem:s19+$0x5200]  }
0x75: {  	v9 =	vshll.u32 v6, $0x10  }
0x76: {  	v10 =	vld [tilespmem:s19+$0x6200];
	v6 =	vand.u32 $0xFFFF0000, v6;
	v9 =	vadd.f32 $0.0e+00, v9  }
0x77: {  	v11 =	vshll.u32 v7, $0x10;
	v6 =	vadd.f32 $0.0e+00, v6  }
0x78: {  	v15 =	vld [tilespmem:s19+$0x7200];
	v7 =	vand.u32 $0xFFFF0000, v7;
	v9 =	vadd.f32 v11, v9  }
0x79: {  	v6 =	vadd.f32 v7, v6;
	v7 =	vshll.u32 v8, $0x10  }
0x7a: {  	v16 =	vld [tilespmem:s19+$0x8200];
	v8 =	vand.u32 $0xFFFF0000, v8;
	v7 =	vadd.f32 v7, v9  }
0x7b: {  	v6 =	vadd.f32 v8, v6;
	v8 =	vshll.u32 v10, $0x10  }
0x7c: {  	v10 =	vand.u32 $0xFFFF0000, v10;
	v7 =	vadd.f32 v8, v7;
	v8 =	vld [tilespmem:s19+$0x9200]  }
0x7d: {  	v17 =	vshll.u32 v15, $0x10;
	v6 =	vadd.f32 v10, v6  }
0x7e: {  	v18 =	vld [tilespmem:s19+$0xA200];
	v11 =	vand.u32 $0xFFFF0000, v15;
	v7 =	vadd.f32 v17, v7  }
0x7f: {  	v19 =	vshll.u32 v16, $0x10;
	v6 =	vadd.f32 v11, v6  }
0x80: {  	v20 =	vld [tilespmem:s19+$0xB200];
	v9 =	vand.u32 $0xFFFF0000, v16;
	v7 =	vadd.f32 v19, v7  }
0x81: {  	v6 =	vadd.f32 v9, v6;
	v21 =	vshll.u32 v8, $0x10  }
0x82: {  	v22 =	vld [tilespmem:s19+$0xC200];
	v8 =	vand.u32 $0xFFFF0000, v8;
	v7 =	vadd.f32 v21, v7  }
0x83: {  	v6 =	vadd.f32 v8, v6;
	v8 =	vshll.u32 v18, $0x10  }
0x84: {  	v10 =	vand.u32 $0xFFFF0000, v18;
	v7 =	vadd.f32 v8, v7;
	v8 =	vld [tilespmem:s19+$0xD200]  }
0x85: {  	v23 =	vshll.u32 v20, $0x10;
	v6 =	vadd.f32 v10, v6  }
0x86: {  	v24 =	vld [tilespmem:s19+$0xE200];
	v11 =	vand.u32 $0xFFFF0000, v20;
	v7 =	vadd.f32 v23, v7  }
0x87: {  	v25 =	vshll.u32 v22, $0x10;
	v6 =	vadd.f32 v11, v6  }
0x88: {  	v26 =	vld [tilespmem:s19+$0xF200];
	v9 =	vand.u32 $0xFFFF0000, v22;
	v7 =	vadd.f32 v25, v7  }
0x89: {  	v6 =	vadd.f32 v9, v6;
	v27 =	vshll.u32 v8, $0x10  }
0x8a: {  	v28 =	vld [tilespmem:s19+$0x10200];
	v8 =	vand.u32 $0xFFFF0000, v8;
	v7 =	vadd.f32 v27, v7  }
0x8b: {  	v6 =	vadd.f32 v8, v6;
	v8 =	vshll.u32 v24, $0x10  }
0x8c: {  	v10 =	vand.u32 $0xFFFF0000, v24;
	v7 =	vadd.f32 v8, v7;
	v8 =	vld [tilespmem:s19+$0x11200]  }
0x8d: {  	v29 =	vshll.u32 v26, $0x10;
	v6 =	vadd.f32 v10, v6  }
0x8e: {  	v30 =	vld [tilespmem:s19+$0x12200];
	v11 =	vand.u32 $0xFFFF0000, v26;
	v7 =	vadd.f32 v29, v7  }
0x8f: {  	v31 =	vshll.u32 v28, $0x10;
	v6 =	vadd.f32 v11, v6  }
0x90: {  	v9 =	vand.u32 $0xFFFF0000, v28;
	v7 =	vadd.f32 v31, v7  }
0x91: {  	s18 =	simm.s32 $0x0;
	v6 =	vadd.f32 v9, v6;
	v32 =	vshll.u32 v8, $0x10  }
0x92: {  	v33 =	vor.u32 s18, v0;
	v8 =	vand.u32 $0xFFFF0000, v8;
	v7 =	vadd.f32 v32, v7  }
0x93: {  	v9 =	vand.u32 v1, v33;
	v6 =	vadd.f32 v8, v6;
	v8 =	vshll.u32 v30, $0x10  }
0x94: {  	v10 =	vand.u32 $0xFFFF0000, v30;
	v7 =	vadd.f32 v8, v7;
	v8 =	vor.u32 s18, v2  }
0x95: {  	v6 =	vadd.f32 v10, v6  }
0x96: {  	v7 =	vmul.f32 $9.999999770e-03, v7  }
0x97: {  	v6 =	vmul.f32 $9.999999770e-03, v6  }
0x98: {  	[tilespmem:v9+s16+$0x0] =	vst.idx.msk $0xffff, v7  }
0x99: {  	[tilespmem:v8+s16+$0x0] =	vst.idx.msk $0xffff, v6  }
0x9a: {  	v6 =	vld [tilespmem:s19+$0x3210];
	_ =	sdelay $0x1  }
0x9b: {  	v7 =	vld [tilespmem:s19+$0x4210];
	_ =	sdelay $0x1  }
0x9c: {  	v8 =	vld [tilespmem:s19+$0x5210]  }
0x9d: {  	v34 =	vshll.u32 v6, $0x10  }
0x9e: {  	v35 =	vld [tilespmem:s19+$0x6210];
	v6 =	vand.u32 $0xFFFF0000, v6;
	v9 =	vadd.f32 $0.0e+00, v34  }
0x9f: {  	v36 =	vshll.u32 v7, $0x10;
	v6 =	vadd.f32 $0.0e+00, v6  }
0xa0: {  	v12 =	vld [tilespmem:s19+$0x7210];
	v7 =	vand.u32 $0xFFFF0000, v7;
	v9 =	vadd.f32 v36, v9  }
0xa1: {  	v37 =	vshll.u32 v8, $0x10;
	v6 =	vadd.f32 v7, v6  }
0xa2: {  	v13 =	vld [tilespmem:s19+$0x8210];
	v8 =	vand.u32 $0xFFFF0000, v8;
	v7 =	vadd.f32 v37, v9  }
0xa3: {  	v38 =	vshll.u32 v35, $0x10;
	v6 =	vadd.f32 v8, v6  }
0xa4: {  	v39 =	vld [tilespmem:s19+$0x9210];
	v8 =	vand.u32 $0xFFFF0000, v35;
	v7 =	vadd.f32 v38, v7  }
0xa5: {  	v40 =	vshll.u32 v12, $0x10;
	v6 =	vadd.f32 v8, v6  }
0xa6: {  	v41 =	vld [tilespmem:s19+$0xA210];
	v8 =	vand.u32 $0xFFFF0000, v12;
	v7 =	vadd.f32 v40, v7  }
0xa7: {  	v42 =	vshll.u32 v13, $0x10;
	v6 =	vadd.f32 v8, v6  }
0xa8: {  	v43 =	vld [tilespmem:s19+$0xB210];
	v8 =	vand.u32 $0xFFFF0000, v13;
	v7 =	vadd.f32 v42, v7  }
0xa9: {  	v44 =	vshll.u32 v39, $0x10;
	v6 =	vadd.f32 v8, v6  }
0xaa: {  	v45 =	vld [tilespmem:s19+$0xC210];
	v8 =	vand.u32 $0xFFFF0000, v39;
	v7 =	vadd.f32 v44, v7  }
0xab: {  	v46 =	vshll.u32 v41, $0x10;
	v6 =	vadd.f32 v8, v6  }
0xac: {  	v47 =	vld [tilespmem:s19+$0xD210];
	v8 =	vand.u32 $0xFFFF0000, v41;
	v7 =	vadd.f32 v46, v7  }
0xad: {  	v48 =	vshll.u32 v43, $0x10;
	v6 =	vadd.f32 v8, v6  }
0xae: {  	v49 =	vld [tilespmem:s19+$0xE210];
	v8 =	vand.u32 $0xFFFF0000, v43;
	v7 =	vadd.f32 v48, v7  }
0xaf: {  	v50 =	vshll.u32 v45, $0x10;
	v6 =	vadd.f32 v8, v6  }
0xb0: {  	v51 =	vld [tilespmem:s19+$0xF210];
	v8 =	vand.u32 $0xFFFF0000, v45;
	v7 =	vadd.f32 v50, v7  }
0xb1: {  	v52 =	vshll.u32 v47, $0x10;
	v6 =	vadd.f32 v8, v6  }
0xb2: {  	v53 =	vld [tilespmem:s19+$0x10210];
	v8 =	vand.u32 $0xFFFF0000, v47;
	v7 =	vadd.f32 v52, v7  }
0xb3: {  	v54 =	vshll.u32 v49, $0x10;
	v6 =	vadd.f32 v8, v6  }
0xb4: {  	v55 =	vld [tilespmem:s19+$0x11210];
	v8 =	vand.u32 $0xFFFF0000, v49;
	v7 =	vadd.f32 v54, v7  }
0xb5: {  	v56 =	vshll.u32 v51, $0x10;
	v6 =	vadd.f32 v8, v6  }
0xb6: {  	v57 =	vld [tilespmem:s19+$0x12210];
	v8 =	vand.u32 $0xFFFF0000, v51;
	v7 =	vadd.f32 v56, v7  }
0xb7: {  	v58 =	vshll.u32 v53, $0x10;
	v6 =	vadd.f32 v8, v6  }
0xb8: {  	v8 =	vand.u32 $0xFFFF0000, v53;
	v7 =	vadd.f32 v58, v7  }
0xb9: {  	v59 =	vshll.u32 v55, $0x10;
	v6 =	vadd.f32 v8, v6  }
0xba: {  	v60 =	vand.u32 $0xFFFF0000, v55;
	v8 =	vor.u32 s18, v3;
	v7 =	vadd.f32 v59, v7  }
0xbb: {  	v61 =	vshll.u32 v57, $0x10;
	v8 =	vand.u32 v4, v8;
	v6 =	vadd.f32 v60, v6  }
0xbc: {  	v62 =	vand.u32 $0xFFFF0000, v57;
	v7 =	vadd.f32 v61, v7  }
0xbd: {  	v9 =	vadd.f32 v62, v6;
	v6 =	vor.u32 s18, v5  }
0xbe: {  	v63 =	vmul.f32 $9.999999770e-03, v7;
	_ =	sdelay $0x1  }
0xbf: {  	s20 =	simm.s32 $0x100;
	s19 =	simm.s32 $0x80;
	v7 =	vmul.f32 $9.999999770e-03, v9;
	[tilespmem:v8+s16+$0x0] =	vst.idx.msk $0xffff, v63  }
.LBB2_6:
0xc0: {  	s21 =	sshra.s32 s19, $0x2  }
0xc1: {  	[tilespmem:v6+s16+$0x0] =	vst.idx.msk $0xffff, v7;
	s18 =	sadd.s32 $0x40, s18;
	s19 =	smov.u32 s20;
	s22 =	sadd.s32 $0x80, s20  }
0xc2: {  	p0 =	sne.s32 s20, $0x3F80;
	v6 =	vld [tilespmem:s21+$0x3200];
	_ =	sdelay $0x1  }
0xc3: {  	v7 =	vld [tilespmem:s21+$0x4200];
	_ =	sdelay $0x1  }
0xc4: {  	v8 =	vld [tilespmem:s21+$0x5200]  }
0xc5: {  	v9 =	vshll.u32 v6, $0x10;
	v6 =	vand.u32 $0xFFFF0000, v6  }
0xc6: {  	v9 =	vadd.f32 $0.0e+00, v9;
	v6 =	vadd.f32 $0.0e+00, v6;
	v10 =	vld [tilespmem:s21+$0x6200]  }
0xc7: {  	v11 =	vshll.u32 v7, $0x10;
	v7 =	vand.u32 $0xFFFF0000, v7  }
0xc8: {  	v9 =	vadd.f32 v11, v9;
	v6 =	vadd.f32 v7, v6;
	v7 =	vld [tilespmem:s21+$0x7200]  }
0xc9: {  	v11 =	vshll.u32 v8, $0x10;
	v8 =	vand.u32 $0xFFFF0000, v8  }
0xca: {  	v9 =	vadd.f32 v11, v9;
	v6 =	vadd.f32 v8, v6;
	v8 =	vld [tilespmem:s21+$0x8200]  }
0xcb: {  	v11 =	vshll.u32 v10, $0x10;
	v10 =	vand.u32 $0xFFFF0000, v10  }
0xcc: {  	v9 =	vadd.f32 v11, v9;
	v6 =	vadd.f32 v10, v6;
	v10 =	vld [tilespmem:s21+$0x9200]  }
0xcd: {  	v11 =	vshll.u32 v7, $0x10;
	v7 =	vand.u32 $0xFFFF0000, v7  }
0xce: {  	v9 =	vadd.f32 v11, v9;
	v6 =	vadd.f32 v7, v6;
	v7 =	vld [tilespmem:s21+$0xA200]  }
0xcf: {  	v11 =	vshll.u32 v8, $0x10;
	v8 =	vand.u32 $0xFFFF0000, v8  }
0xd0: {  	v9 =	vadd.f32 v11, v9;
	v6 =	vadd.f32 v8, v6;
	v8 =	vld [tilespmem:s21+$0xB200]  }
0xd1: {  	v11 =	vshll.u32 v10, $0x10;
	v10 =	vand.u32 $0xFFFF0000, v10  }
0xd2: {  	v9 =	vadd.f32 v11, v9;
	v6 =	vadd.f32 v10, v6;
	v10 =	vld [tilespmem:s21+$0xC200]  }
0xd3: {  	v11 =	vshll.u32 v7, $0x10;
	v7 =	vand.u32 $0xFFFF0000, v7  }
0xd4: {  	v9 =	vadd.f32 v11, v9;
	v6 =	vadd.f32 v7, v6;
	v7 =	vld [tilespmem:s21+$0xD200]  }
0xd5: {  	v11 =	vshll.u32 v8, $0x10;
	v8 =	vand.u32 $0xFFFF0000, v8  }
0xd6: {  	v9 =	vadd.f32 v11, v9;
	v6 =	vadd.f32 v8, v6;
	v8 =	vld [tilespmem:s21+$0xE200]  }
0xd7: {  	v11 =	vshll.u32 v10, $0x10;
	v10 =	vand.u32 $0xFFFF0000, v10  }
0xd8: {  	v9 =	vadd.f32 v11, v9;
	v6 =	vadd.f32 v10, v6;
	v10 =	vld [tilespmem:s21+$0xF200]  }
0xd9: {  	v11 =	vshll.u32 v7, $0x10;
	v7 =	vand.u32 $0xFFFF0000, v7  }
0xda: {  	v9 =	vadd.f32 v11, v9;
	v6 =	vadd.f32 v7, v6;
	v7 =	vld [tilespmem:s21+$0x10200]  }
0xdb: {  	v11 =	vshll.u32 v8, $0x10;
	v8 =	vand.u32 $0xFFFF0000, v8  }
0xdc: {  	v9 =	vadd.f32 v11, v9;
	v6 =	vadd.f32 v8, v6;
	v8 =	vld [tilespmem:s21+$0x11200]  }
0xdd: {  	v11 =	vshll.u32 v10, $0x10;
	v10 =	vand.u32 $0xFFFF0000, v10  }
0xde: {  	v9 =	vadd.f32 v11, v9;
	v6 =	vadd.f32 v10, v6;
	v10 =	vld [tilespmem:s21+$0x12200]  }
0xdf: {  	v11 =	vshll.u32 v7, $0x10;
	v7 =	vand.u32 $0xFFFF0000, v7  }
0xe0: {  	v9 =	vadd.f32 v11, v9;
	v6 =	vadd.f32 v7, v6  }
0xe1: {  	v7 =	vshll.u32 v8, $0x10;
	v8 =	vand.u32 $0xFFFF0000, v8  }
0xe2: {  	v7 =	vadd.f32 v7, v9;
	v6 =	vadd.f32 v8, v6;
	v8 =	vor.u32 s18, v0  }
0xe3: {  	v9 =	vshll.u32 v10, $0x10;
	v10 =	vand.u32 $0xFFFF0000, v10;
	v8 =	vand.u32 v1, v8  }
0xe4: {  	v7 =	vadd.f32 v9, v7;
	v6 =	vadd.f32 v10, v6;
	v9 =	vor.u32 s18, v2;
	_ =	sdelay $0x1  }
0xe5: {  	v7 =	vmul.f32 $9.999999770e-03, v7  }
0xe6: {  	v6 =	vmul.f32 $9.999999770e-03, v6  }
0xe7: {  	[tilespmem:v8+s16+$0x0] =	vst.idx.msk $0xffff, v7  }
0xe8: {  	[tilespmem:v9+s16+$0x0] =	vst.idx.msk $0xffff, v6  }
0xe9: {  	v6 =	vld [tilespmem:s21+$0x3210]  }
0xea: {  	v7 =	vld [tilespmem:s21+$0x4210]  }
0xeb: {  	v8 =	vld [tilespmem:s21+$0x5210]  }
0xec: {  	v9 =	vld [tilespmem:s21+$0x6210]  }
0xed: {  	v10 =	vld [tilespmem:s21+$0x7210]  }
0xee: {  	v11 =	vshll.u32 v6, $0x10;
	v6 =	vand.u32 $0xFFFF0000, v6;
	v12 =	vld [tilespmem:s21+$0x8210]  }
0xef: {  	v11 =	vadd.f32 $0.0e+00, v11;
	v6 =	vadd.f32 $0.0e+00, v6;
	v13 =	vld [tilespmem:s21+$0x9210]  }
0xf0: {  	v14 =	vshll.u32 v7, $0x10;
	v7 =	vand.u32 $0xFFFF0000, v7;
	v15 =	vld [tilespmem:s21+$0xA210]  }
0xf1: {  	v11 =	vadd.f32 v14, v11;
	v6 =	vadd.f32 v7, v6;
	v7 =	vld [tilespmem:s21+$0xB210]  }
0xf2: {  	v14 =	vshll.u32 v8, $0x10;
	v8 =	vand.u32 $0xFFFF0000, v8;
	v16 =	vld [tilespmem:s21+$0xC210]  }
0xf3: {  	v11 =	vadd.f32 v14, v11;
	v6 =	vadd.f32 v8, v6;
	v8 =	vld [tilespmem:s21+$0xD210]  }
0xf4: {  	v14 =	vshll.u32 v9, $0x10;
	v9 =	vand.u32 $0xFFFF0000, v9;
	v17 =	vld [tilespmem:s21+$0xE210]  }
0xf5: {  	v11 =	vadd.f32 v14, v11;
	v6 =	vadd.f32 v9, v6;
	v9 =	vld [tilespmem:s21+$0xF210]  }
0xf6: {  	v14 =	vshll.u32 v10, $0x10;
	v10 =	vand.u32 $0xFFFF0000, v10;
	v18 =	vld [tilespmem:s21+$0x10210]  }
0xf7: {  	v11 =	vadd.f32 v14, v11;
	v6 =	vadd.f32 v10, v6;
	v10 =	vld [tilespmem:s21+$0x11210]  }
0xf8: {  	v14 =	vshll.u32 v12, $0x10;
	v12 =	vand.u32 $0xFFFF0000, v12;
	v19 =	vld [tilespmem:s21+$0x12210]  }
0xf9: {  	v11 =	vadd.f32 v14, v11;
	v6 =	vadd.f32 v12, v6  }
0xfa: {  	v12 =	vshll.u32 v13, $0x10;
	v13 =	vand.u32 $0xFFFF0000, v13  }
0xfb: {  	v11 =	vadd.f32 v12, v11;
	v6 =	vadd.f32 v13, v6  }
0xfc: {  	v12 =	vshll.u32 v15, $0x10;
	v13 =	vand.u32 $0xFFFF0000, v15  }
0xfd: {  	v11 =	vadd.f32 v12, v11;
	v6 =	vadd.f32 v13, v6  }
0xfe: {  	v12 =	vshll.u32 v7, $0x10;
	v7 =	vand.u32 $0xFFFF0000, v7  }
0xff: {  	v11 =	vadd.f32 v12, v11;
	v6 =	vadd.f32 v7, v6  }
0x100: {  	v7 =	vshll.u32 v16, $0x10;
	v12 =	vand.u32 $0xFFFF0000, v16  }
0x101: {  	v7 =	vadd.f32 v7, v11;
	v6 =	vadd.f32 v12, v6  }
0x102: {  	v11 =	vshll.u32 v8, $0x10;
	v8 =	vand.u32 $0xFFFF0000, v8  }
0x103: {  	v7 =	vadd.f32 v11, v7;
	v6 =	vadd.f32 v8, v6  }
0x104: {  	v8 =	vshll.u32 v17, $0x10;
	v11 =	vand.u32 $0xFFFF0000, v17  }
0x105: {  	v7 =	vadd.f32 v8, v7;
	v6 =	vadd.f32 v11, v6  }
0x106: {  	v8 =	vshll.u32 v9, $0x10;
	v9 =	vand.u32 $0xFFFF0000, v9  }
0x107: {  	v7 =	vadd.f32 v8, v7;
	v6 =	vadd.f32 v9, v6  }
0x108: {  	v8 =	vshll.u32 v18, $0x10;
	v9 =	vand.u32 $0xFFFF0000, v18  }
0x109: {  	v7 =	vadd.f32 v8, v7;
	v6 =	vadd.f32 v9, v6  }
0x10a: {  	v8 =	vshll.u32 v10, $0x10;
	v9 =	vand.u32 $0xFFFF0000, v10  }
0x10b: {  	v7 =	vadd.f32 v8, v7;
	v6 =	vadd.f32 v9, v6;
	v8 =	vor.u32 s18, v3  }
0x10c: {  	v10 =	vand.u32 $0xFFFF0000, v19;
	v9 =	vshll.u32 v19, $0x10;
	v8 =	vand.u32 v4, v8  }
.Ltmp2:
0x10d: {  	v7 =	vadd.f32 v9, v7;
	v9 =	vadd.f32 v10, v6;
	v6 =	vor.u32 s18, v5;
	(pc) =	sbr.rel @p0 .LBB2_6-.Ltmp2, $4  }
0x10e: {  	_ = 	snop  }
0x10f: {  	v10 =	vmul.f32 $9.999999770e-03, v7  }
0x110: {  	v7 =	vmul.f32 $9.999999770e-03, v9  }
0x111: {  	s20 =	smov.u32 s22;
	[tilespmem:v8+s16+$0x0] =	vst.idx.msk $0xffff, v10  }
0x112: {  	_ =	sdelay $0x3  }
0x113: {  	s19 =	sshra.s32 s19, $0x2;
	[tilespmem:v6+s16+$0x0] =	vst.idx.msk $0xffff, v7  }
0x114: {  	v6 =	vld [tilespmem:s19+$0x3200];
	_ =	sdelay $0x1  }
0x115: {  	v7 =	vld [tilespmem:s19+$0x4200];
	_ =	sdelay $0x1  }
0x116: {  	v8 =	vld [tilespmem:s19+$0x5200]  }
0x117: {  	v9 =	vshll.u32 v6, $0x10  }
0x118: {  	v10 =	vld [tilespmem:s19+$0x6200];
	v6 =	vand.u32 $0xFFFF0000, v6;
	v9 =	vadd.f32 $0.0e+00, v9  }
0x119: {  	v11 =	vshll.u32 v7, $0x10;
	v6 =	vadd.f32 $0.0e+00, v6  }
0x11a: {  	v60 =	vld [tilespmem:s19+$0x7200];
	v7 =	vand.u32 $0xFFFF0000, v7;
	v9 =	vadd.f32 v11, v9  }
0x11b: {  	v6 =	vadd.f32 v7, v6;
	v7 =	vshll.u32 v8, $0x10  }
0x11c: {  	v61 =	vld [tilespmem:s19+$0x8200];
	v8 =	vand.u32 $0xFFFF0000, v8;
	v7 =	vadd.f32 v7, v9  }
0x11d: {  	v62 =	vshll.u32 v10, $0x10;
	v6 =	vadd.f32 v8, v6  }
0x11e: {  	v63 =	vld [tilespmem:s19+$0x9200];
	v10 =	vand.u32 $0xFFFF0000, v10;
	v7 =	vadd.f32 v62, v7  }
0x11f: {  	v12 =	vshll.u32 v60, $0x10;
	v6 =	vadd.f32 v10, v6  }
0x120: {  	v13 =	vld [tilespmem:s19+$0xA200];
	v11 =	vand.u32 $0xFFFF0000, v60;
	v7 =	vadd.f32 v12, v7  }
0x121: {  	v14 =	vshll.u32 v61, $0x10;
	v6 =	vadd.f32 v11, v6  }
0x122: {  	v15 =	vld [tilespmem:s19+$0xB200];
	v9 =	vand.u32 $0xFFFF0000, v61;
	v7 =	vadd.f32 v14, v7  }
0x123: {  	v16 =	vshll.u32 v63, $0x10;
	v6 =	vadd.f32 v9, v6  }
0x124: {  	v17 =	vld [tilespmem:s19+$0xC200];
	v8 =	vand.u32 $0xFFFF0000, v63;
	v7 =	vadd.f32 v16, v7  }
0x125: {  	v18 =	vshll.u32 v13, $0x10;
	v6 =	vadd.f32 v8, v6  }
0x126: {  	v19 =	vld [tilespmem:s19+$0xD200];
	v10 =	vand.u32 $0xFFFF0000, v13;
	v7 =	vadd.f32 v18, v7  }
0x127: {  	v20 =	vshll.u32 v15, $0x10;
	v6 =	vadd.f32 v10, v6  }
0x128: {  	v21 =	vld [tilespmem:s19+$0xE200];
	v11 =	vand.u32 $0xFFFF0000, v15;
	v7 =	vadd.f32 v20, v7  }
0x129: {  	v22 =	vshll.u32 v17, $0x10;
	v6 =	vadd.f32 v11, v6  }
0x12a: {  	v23 =	vld [tilespmem:s19+$0xF200];
	v9 =	vand.u32 $0xFFFF0000, v17;
	v7 =	vadd.f32 v22, v7  }
0x12b: {  	v24 =	vshll.u32 v19, $0x10;
	v6 =	vadd.f32 v9, v6  }
0x12c: {  	v25 =	vld [tilespmem:s19+$0x10200];
	v8 =	vand.u32 $0xFFFF0000, v19;
	v7 =	vadd.f32 v24, v7  }
0x12d: {  	v26 =	vshll.u32 v21, $0x10;
	v6 =	vadd.f32 v8, v6  }
0x12e: {  	v27 =	vld [tilespmem:s19+$0x11200];
	v10 =	vand.u32 $0xFFFF0000, v21;
	v7 =	vadd.f32 v26, v7  }
0x12f: {  	v28 =	vshll.u32 v23, $0x10;
	v6 =	vadd.f32 v10, v6  }
0x130: {  	v29 =	vld [tilespmem:s19+$0x12200];
	v11 =	vand.u32 $0xFFFF0000, v23;
	v7 =	vadd.f32 v28, v7  }
0x131: {  	v30 =	vshll.u32 v25, $0x10;
	v6 =	vadd.f32 v11, v6  }
0x132: {  	v9 =	vand.u32 $0xFFFF0000, v25;
	v7 =	vadd.f32 v30, v7  }
0x133: {  	s18 =	sadd.s32 $0x40, s18;
	v31 =	vshll.u32 v27, $0x10;
	v6 =	vadd.f32 v9, v6  }
0x134: {  	v32 =	vor.u32 s18, v0;
	v8 =	vand.u32 $0xFFFF0000, v27;
	v7 =	vadd.f32 v31, v7  }
0x135: {  	v33 =	vshll.u32 v29, $0x10;
	v9 =	vand.u32 v1, v32;
	v6 =	vadd.f32 v8, v6  }
0x136: {  	v34 =	vor.u32 s18, v2;
	v10 =	vand.u32 $0xFFFF0000, v29;
	v7 =	vadd.f32 v33, v7  }
0x137: {  	v6 =	vadd.f32 v10, v6  }
0x138: {  	v7 =	vmul.f32 $9.999999770e-03, v7  }
0x139: {  	v6 =	vmul.f32 $9.999999770e-03, v6  }
0x13a: {  	[tilespmem:v9+s16+$0x0] =	vst.idx.msk $0xffff, v7  }
0x13b: {  	[tilespmem:v34+s16+$0x0] =	vst.idx.msk $0xffff, v6  }
0x13c: {  	v6 =	vld [tilespmem:s19+$0x3210];
	_ =	sdelay $0x1  }
0x13d: {  	v7 =	vld [tilespmem:s19+$0x4210];
	_ =	sdelay $0x1  }
0x13e: {  	v8 =	vld [tilespmem:s19+$0x5210]  }
0x13f: {  	v35 =	vshll.u32 v6, $0x10  }
0x140: {  	v36 =	vld [tilespmem:s19+$0x6210];
	v6 =	vand.u32 $0xFFFF0000, v6;
	v9 =	vadd.f32 $0.0e+00, v35  }
0x141: {  	v37 =	vshll.u32 v7, $0x10;
	v6 =	vadd.f32 $0.0e+00, v6  }
0x142: {  	v12 =	vld [tilespmem:s19+$0x7210];
	v7 =	vand.u32 $0xFFFF0000, v7;
	v9 =	vadd.f32 v37, v9  }
0x143: {  	v6 =	vadd.f32 v7, v6;
	v7 =	vshll.u32 v8, $0x10  }
0x144: {  	v38 =	vld [tilespmem:s19+$0x8210];
	v8 =	vand.u32 $0xFFFF0000, v8;
	v7 =	vadd.f32 v7, v9  }
0x145: {  	v39 =	vshll.u32 v36, $0x10;
	v6 =	vadd.f32 v8, v6  }
0x146: {  	v40 =	vld [tilespmem:s19+$0x9210];
	v10 =	vand.u32 $0xFFFF0000, v36;
	v7 =	vadd.f32 v39, v7  }
0x147: {  	v41 =	vshll.u32 v12, $0x10;
	v6 =	vadd.f32 v10, v6  }
0x148: {  	v42 =	vld [tilespmem:s19+$0xA210];
	v12 =	vand.u32 $0xFFFF0000, v12;
	v7 =	vadd.f32 v41, v7  }
0x149: {  	v43 =	vshll.u32 v38, $0x10;
	v6 =	vadd.f32 v12, v6  }
0x14a: {  	v44 =	vld [tilespmem:s19+$0xB210];
	v11 =	vand.u32 $0xFFFF0000, v38;
	v7 =	vadd.f32 v43, v7  }
0x14b: {  	v45 =	vshll.u32 v40, $0x10;
	v6 =	vadd.f32 v11, v6  }
0x14c: {  	v46 =	vld [tilespmem:s19+$0xC210];
	v9 =	vand.u32 $0xFFFF0000, v40;
	v7 =	vadd.f32 v45, v7  }
0x14d: {  	v47 =	vshll.u32 v42, $0x10;
	v6 =	vadd.f32 v9, v6  }
0x14e: {  	v48 =	vld [tilespmem:s19+$0xD210];
	v10 =	vand.u32 $0xFFFF0000, v42;
	v7 =	vadd.f32 v47, v7  }
0x14f: {  	v49 =	vshll.u32 v44, $0x10;
	v6 =	vadd.f32 v10, v6  }
0x150: {  	v50 =	vld [tilespmem:s19+$0xE210];
	v12 =	vand.u32 $0xFFFF0000, v44;
	v7 =	vadd.f32 v49, v7  }
0x151: {  	v51 =	vshll.u32 v46, $0x10;
	v6 =	vadd.f32 v12, v6  }
0x152: {  	v52 =	vld [tilespmem:s19+$0xF210];
	v11 =	vand.u32 $0xFFFF0000, v46;
	v7 =	vadd.f32 v51, v7  }
0x153: {  	v53 =	vshll.u32 v48, $0x10;
	v6 =	vadd.f32 v11, v6  }
0x154: {  	v54 =	vld [tilespmem:s19+$0x10210];
	v9 =	vand.u32 $0xFFFF0000, v48;
	v7 =	vadd.f32 v53, v7  }
0x155: {  	v55 =	vshll.u32 v50, $0x10;
	v6 =	vadd.f32 v9, v6  }
0x156: {  	v56 =	vld [tilespmem:s19+$0x11210];
	v10 =	vand.u32 $0xFFFF0000, v50;
	v7 =	vadd.f32 v55, v7  }
0x157: {  	v57 =	vshll.u32 v52, $0x10;
	v6 =	vadd.f32 v10, v6  }
0x158: {  	v58 =	vld [tilespmem:s19+$0x12210];
	v12 =	vand.u32 $0xFFFF0000, v52;
	v7 =	vadd.f32 v57, v7  }
0x159: {  	v59 =	vshll.u32 v54, $0x10;
	v6 =	vadd.f32 v12, v6  }
0x15a: {  	v11 =	vand.u32 $0xFFFF0000, v54;
	v7 =	vadd.f32 v59, v7  }
0x15b: {  	v60 =	vshll.u32 v56, $0x10;
	v6 =	vadd.f32 v11, v6  }
0x15c: {  	v61 =	vor.u32 s18, v3;
	v9 =	vand.u32 $0xFFFF0000, v56;
	v7 =	vadd.f32 v60, v7  }
0x15d: {  	v62 =	vshll.u32 v58, $0x10;
	v8 =	vand.u32 v4, v61;
	v6 =	vadd.f32 v9, v6  }
0x15e: {  	v63 =	vor.u32 s18, v5;
	v10 =	vand.u32 $0xFFFF0000, v58;
	v7 =	vadd.f32 v62, v7  }
0x15f: {  	v6 =	vadd.f32 v10, v6  }
0x160: {  	v7 =	vmul.f32 $9.999999770e-03, v7  }
0x161: {  	s17 =	sadd.s32 $0x1, s17;
	v6 =	vmul.f32 $9.999999770e-03, v6  }
0x162: {  	p0 =	sne.s32 s17, s6;
	[tilespmem:v8+s16+$0x0] =	vst.idx.msk $0xffff, v7  }
.Ltmp3:
0x163: {  	[tilespmem:v63+s16+$0x0] =	vst.idx.msk $0xffff, v6;
	(pc) =	sbr.rel @p0 .LBB2_1-.Ltmp3, $4  }
0x164: {  	[hbm4b:s5+s2] =	stream.linear.scatter [tilespmem:s16], [sflag:$0x2], $0x2000, $0x38;
	[tilespmem:$0x15200] =	vst v63  }
0x165: {  	_ =	swait.ge [sflag:s7], $0x2000  }
0x166: {  	[sflag:s7] =	ssyncset.done $0x0  }
0x167: {  	[sflag:s7] =	ssyncadd.s32 $0xFFFFE000  }
0x168: {  	_ =	sfence.sel $0x180000  }
0x169: {  	[bflag:$0x0] =	sbarrier.arrive $0xFFFF  }
0x16a: {  	_ =	strace $0x90000047  }
0x16b: {  	s0 =	stileid.u32;
	[bflag:$0x2] =	sbarrier.arrive $0xFFFF  }
0x16c: {  	p0 =	sne.s32 s0, $0x0;
	s0 =	rddreg [dreg:$0x2]  }
0x16d: {  	s0 =	sadd.s32 @!p0 $0x100000, s0  }
0x16e: {  	[sflag:s0] =	ssyncadd.tile.s32 @!p0 $0x1;
	_ =	shalt  }
.Lfunc_end2:
_tile_overlayer_lowered:
.L_overlay_start_2:
0x16f: {  	(tag) =	ssettag $0x2  }
0x170: {  	s0 =	rddreg [dreg:$0x0];
	s2 =	stileid.u32  }
0x171: {  	s1 =	rddreg [dreg:$0x1];
	p0 =	sne.s32 s2, $0x0  }
0x172: {  	s3 =	rddreg [dreg:$0x2];
	[bflag:$0x3] =	sbarrier.arrive $0xFFFF;
	s2 =	simm.s32 @!p0 $0x1C02  }
0x173: {  	[timem:s3], [sflag:s2] =	dma.local @!p0 [hbm:s0], s1  }
0x174: {  	s0 =	simm.s32 @!p0 $0x2  }
0x175: {  	_ =	swait.ge @!p0 [sflag:s0], s1  }
0x176: {  	s1 =	ssub.s32 @!p0 $0x0, s1;
	[sflag:s0] =	ssyncset.done @!p0 $0x0  }
0x177: {  	[sflag:s0] =	ssyncadd.s32 @!p0 s1  }
0x178: {  	[bflag:$0x3] =	sbarrier.arrive $0xFFFF  }
0x179: {  	_ =	shalt  }

</sc_bundles>
